<compile_context>
chip_gen: v7x
topology: tpu7x:2x2x1
jax: 0.10.2.dev20260603
libtpu: 0.0.44.dev20260713+nightly
codegen_flags: <defaults>
</compile_context>

<pallas_src>
import functools

import jax
import jax.numpy as jnp
from jax import lax
from jax.experimental import pallas as pl
from jax.experimental.pallas import tpu as pltpu
from jax.experimental.pallas import tpu_sc as plsc

VOCAB = 30000
EMB = 125
HID = 100
OUT = 2
B = 1024
L = 200

DPAD = 128
HPAD = 128
G3 = 3 * HPAD
TB = 10
NSEG = 4
LSEG = L // NSEG
NT = LSEG // TB

NC = 2
NS = 16
NW = NC * NS
SEG_ROWS = LSEG * B
RPW = SEG_ROWS // NW
CH = 80
NCH = RPW // CH


def _sc_gather(table, idx):
    mesh = plsc.VectorSubcoreMesh(core_axis_name="c", subcore_axis_name="s")

    @functools.partial(
        pl.kernel,
        mesh=mesh,
        out_type=jax.ShapeDtypeStruct((SEG_ROWS, DPAD), jnp.float32),
        scratch_types=[
            pltpu.VMEM((NCH, CH), jnp.int32),
            pltpu.VMEM((CH, DPAD), jnp.float32),
            pltpu.VMEM((CH, DPAD), jnp.float32),
            pltpu.SemaphoreType.DMA,
            pltpu.SemaphoreType.DMA,
        ],
    )
    def gather_kernel(table_hbm, idx_hbm, out_hbm, idx_v, buf0, buf1, sem0,
                      sem1):
        wid = lax.axis_index("s") * NC + lax.axis_index("c")
        base = wid * RPW
        pltpu.sync_copy(idx_hbm.at[wid], idx_v)

        pltpu.async_copy(table_hbm.at[idx_v.at[0]], buf0, sem0)

        def body(i, carry):
            c0 = 2 * i
            c1 = c0 + 1
            pltpu.make_async_copy(table_hbm.at[idx_v.at[c0]], buf0,
                                  sem0).wait()
            pltpu.async_copy(table_hbm.at[idx_v.at[c1]], buf1, sem1)
            pltpu.sync_copy(buf0, out_hbm.at[pl.ds(base + c0 * CH, CH)])
            pltpu.make_async_copy(table_hbm.at[idx_v.at[c1]], buf1,
                                  sem1).wait()

            @pl.when(c1 + 1 < NCH)
            def _():
                pltpu.async_copy(table_hbm.at[idx_v.at[c1 + 1]], buf0, sem0)

            pltpu.sync_copy(buf1, out_hbm.at[pl.ds(base + c1 * CH, CH)])
            return carry

        lax.fori_loop(0, NCH // 2, body, 0)

    return gather_kernel(table, idx)


def _seg_scan_body(e_ref, hin_ref, wih_ref, whh_ref, bhn_ref, hout_ref,
                   h_ref):
    g = pl.program_id(0)

    @pl.when(g == 0)
    def _():
        h_ref[...] = hin_ref[...]

    e_blk = e_ref[...].reshape(TB * B, DPAD).astype(jnp.bfloat16)
    gi_all = jnp.dot(e_blk, wih_ref[...],
                     preferred_element_type=jnp.float32).astype(jnp.bfloat16)

    half = jnp.bfloat16(0.5)
    h = h_ref[...]
    for t in range(TB):
        gi = gi_all[t * B:(t + 1) * B]
        gh = jnp.dot(h, whh_ref[...],
                     preferred_element_type=jnp.float32).astype(jnp.bfloat16)
        rt = jnp.tanh(half * (gi[:, :HPAD] + gh[:, :HPAD]))
        zt = jnp.tanh(half * (gi[:, HPAD:2 * HPAD] + gh[:, HPAD:2 * HPAD]))
        hn = gh[:, 2 * HPAD:] + bhn_ref[...]
        n = jnp.tanh(gi[:, 2 * HPAD:] + (half * rt + half) * hn)
        h = (half * ((n + h) + zt * (h - n))).astype(jnp.bfloat16)

    @pl.when(g < NT - 1)
    def _():
        h_ref[...] = h

    @pl.when(g == NT - 1)
    def _():
        hout_ref[...] = h


def _seg_scan(e, h_in, wih, whh, bhn):
    return pl.pallas_call(
        _seg_scan_body,
        grid=(NT,),
        in_specs=[
            pl.BlockSpec((TB, B, DPAD), lambda g: (g, 0, 0)),
            pl.BlockSpec((B, HPAD), lambda g: (0, 0)),
            pl.BlockSpec((DPAD, G3), lambda g: (0, 0)),
            pl.BlockSpec((HPAD, G3), lambda g: (0, 0)),
            pl.BlockSpec((1, HPAD), lambda g: (0, 0)),
        ],
        out_specs=pl.BlockSpec((B, HPAD), lambda g: (0, 0)),
        out_shape=jax.ShapeDtypeStruct((B, HPAD), jnp.bfloat16),
        scratch_shapes=[pltpu.VMEM((B, HPAD), jnp.bfloat16)],
    )(e, h_in, wih, whh, bhn)


def _final_body(h_ref, wd_ref, bd_ref, out_ref):
    a = jnp.tanh(h_ref[...].astype(jnp.float32)).astype(jnp.bfloat16)
    logits = jnp.dot(a, wd_ref[...], preferred_element_type=jnp.float32)
    logits = logits + bd_ref[...]
    m = jnp.max(logits, axis=-1, keepdims=True)
    p = jnp.exp(logits - m)
    p = p / jnp.sum(p, axis=-1, keepdims=True)
    out_ref[...] = p[:, :OUT]


def _final(h, wd, bd):
    return pl.pallas_call(
        _final_body,
        out_shape=jax.ShapeDtypeStruct((B, OUT), jnp.float32),
    )(h, wd, bd)


def _pad_gates_2d(w, rows_to):
    rows = w.shape[0]
    parts = []
    for g in range(3):
        wg = w[:, g * HID:(g + 1) * HID]
        parts.append(jnp.pad(wg, ((0, rows_to - rows), (0, HPAD - HID))))
    return jnp.concatenate(parts, axis=1)


def _pad_gates_1d(b):
    parts = [jnp.pad(b[g * HID:(g + 1) * HID], (0, HPAD - HID))
             for g in range(3)]
    return jnp.concatenate(parts)[None, :]


def kernel(x, emb_table, W_ih, W_hh, b_ih, b_hh, W_dense, b_dense):
    xi = x.astype(jnp.int32)

    table = jnp.concatenate(
        [emb_table,
         jnp.ones((VOCAB, 1), jnp.float32),
         jnp.zeros((VOCAB, DPAD - EMB - 1), jnp.float32)], axis=1)

    b_comb = b_ih + jnp.concatenate(
        [b_hh[:2 * HID], jnp.zeros((HID,), jnp.float32)])
    wih = jnp.concatenate(
        [_pad_gates_2d(W_ih, EMB),
         _pad_gates_1d(b_comb),
         jnp.zeros((DPAD - EMB - 1, G3), jnp.float32)],
        axis=0).astype(jnp.bfloat16)
    whh = _pad_gates_2d(W_hh, HPAD).astype(jnp.bfloat16)
    bhn = jnp.pad(b_hh[2 * HID:],
                  (0, HPAD - HID))[None, :].astype(jnp.bfloat16)
    wd = jnp.pad(W_dense.T,
                 ((0, HPAD - HID), (0, HPAD - OUT))).astype(jnp.bfloat16)
    bd = jnp.pad(b_dense, (0, HPAD - OUT), constant_values=-1e30)[None, :]

    es = []
    for k in range(NSEG):
        idx_k = xi[:, k * LSEG:(k + 1) * LSEG].T.reshape(NW, NCH, CH)
        es.append(_sc_gather(table, idx_k).reshape(LSEG, B, DPAD))

    h = jnp.zeros((B, HPAD), jnp.bfloat16)
    for k in range(NSEG):
        h = _seg_scan(es[k], h, wih, whh, bhn)

    return _final(h, wd, bd)

# --- scband reference (transcript-rebuilt; emitter-appended) ---
"""Pipeline reference for scband-kit-model-32469952758379 (READ-ONLY COPY).

The authoritative reference and input builder live on the scoring server;
editing this copy changes nothing except your own understanding.
"""

import jax, jax.numpy as jnp
import numpy as np

VOCAB = 30000
EMB = 125
HID = 100
OUT = 2
B = 1024
L = 200


def setup_inputs(seed: int = 0) -> dict:
    key = jax.random.key(seed)
    ks = jax.random.split(key, 8)
    x = jax.random.randint(ks[0], (B, L), 0, VOCAB, dtype=jnp.int64 if jax.config.jax_enable_x64 else jnp.int32)
    emb_table = jax.random.normal(ks[1], (VOCAB, EMB), dtype=jnp.float32) * 0.05
    W_ih = jax.random.normal(ks[2], (EMB, 3 * HID), dtype=jnp.float32) * (1.0 / np.sqrt(EMB))
    W_hh = jax.random.normal(ks[3], (HID, 3 * HID), dtype=jnp.float32) * (1.0 / np.sqrt(HID))
    b_ih = jax.random.normal(ks[4], (3 * HID,), dtype=jnp.float32) * 0.01
    b_hh = jax.random.normal(ks[5], (3 * HID,), dtype=jnp.float32) * 0.01
    W_dense = jax.random.normal(ks[6], (OUT, HID), dtype=jnp.float32) * (1.0 / np.sqrt(HID))
    b_dense = jax.random.normal(ks[7], (OUT,), dtype=jnp.float32) * 0.01
    return {"x": x, "emb_table": emb_table, "W_ih": W_ih, "W_hh": W_hh,
            "b_ih": b_ih, "b_hh": b_hh, "W_dense": W_dense, "b_dense": b_dense}


def _gru_last_hidden(e, W_ih, W_hh, b_ih, b_hh):
    # e: [B, L, EMB] -> last hidden state [B, HID]; PyTorch/Keras GRU gate math
    h0 = jnp.zeros((e.shape[0], HID), dtype=e.dtype)

    def step(h, x_t):
        gi = x_t @ W_ih + b_ih
        gh = h @ W_hh + b_hh
        i_r, i_z, i_n = jnp.split(gi, 3, axis=-1)
        h_r, h_z, h_n = jnp.split(gh, 3, axis=-1)
        r = jax.nn.sigmoid(i_r + h_r)
        z = jax.nn.sigmoid(i_z + h_z)
        n = jnp.tanh(i_n + r * h_n)
        one = jnp.asarray(1.0, dtype=h.dtype)
        h_new = (one - z) * n + z * h
        return h_new, None

    h_last, _ = jax.lax.scan(step, h0, jnp.swapaxes(e, 0, 1))
    return h_last


def reference(x, emb_table, W_ih, W_hh, b_ih, b_hh, W_dense, b_dense):
    # embedding_1: gather rows (SparseCore-style lookup)
    e = jnp.take(emb_table, x, axis=0)              # [B, L, EMB]
    gru_1 = _gru_last_hidden(e, W_ih, W_hh, b_ih, b_hh)  # [B, HID]
    gru_1_activation = jnp.tanh(gru_1)
    dense_1 = gru_1_activation @ W_dense.T + b_dense     # [B, OUT]
    dense_1_activation = jax.nn.softmax(dense_1, axis=-1)
    return dense_1_activation

if __name__ == "__main__":
    import jax
    _d = setup_inputs()
    print(jax.jit(kernel)(*tuple(_d.values())))

</pallas_src>

<mosaic_0001>
#map = affine_map<(d0, d1) -> (0, 0)>
#map1 = affine_map<(d0, d1) -> (0, 0, 0)>
module attributes {stable_mosaic.version = 14 : i64} {
  func.func @gather_kernel(%arg0: i32, %arg1: i32, %arg2: memref<30000x128xf32, #tpu.memory_space<hbm>>, %arg3: memref<32x20x80xi32, #tpu.memory_space<hbm>>, %arg4: memref<51200x128xf32, #tpu.memory_space<hbm>>, %arg5: memref<20x80xi32, #tpu.memory_space<vmem>>, %arg6: memref<80x128xf32, #tpu.memory_space<vmem>>, %arg7: memref<80x128xf32, #tpu.memory_space<vmem>>, %arg8: memref<!tpu.dma_semaphore, #tpu.memory_space<semaphore_mem>>, %arg9: memref<!tpu.dma_semaphore, #tpu.memory_space<semaphore_mem>>) attributes {dimension_semantics = [#tpu.dimension_semantics<core_parallel>, #tpu.dimension_semantics<subcore_parallel>], iteration_bounds = array<i64: 2, 16>, scalar_prefetch = 0 : i64, scratch_operands = 5 : i64, tpu.core_type = #tpu.core_type<sc_vector_subcore>, window_params = [{transform_indices = #map}, {transform_indices = #map1}, {transform_indices = #map}]} {
    %mul3A = arith.constant 2 : i32
    %mul3A_0 = arith.muli %arg1, %mul3A : i32
    %add3A = arith.addi %mul3A_0, %arg0 : i32
    %mul3A_1 = arith.constant 1600 : i32
    %mul3A_2 = arith.muli %add3A, %mul3A_1 : i32
    "tpu.region"() ({
      %run_scoped3A = tpu.sem_alloc : memref<!tpu.dma_semaphore, #tpu.memory_space<semaphore_mem>>
      %dma_start3A_14 = arith.constant 0 : i32
      %dma_start3A_15 = arith.constant 0 : i32
      %dma_start3A_16 = tpu.memref_slice %arg3[%add3A, %dma_start3A_14, %dma_start3A_15] : memref<32x20x80xi32, #tpu.memory_space<hbm>> -> memref<1x20x80xi32, #tpu.memory_space<hbm>>
      %dma_start3A_17 = tpu.memref_squeeze %dma_start3A_16 : memref<1x20x80xi32, #tpu.memory_space<hbm>> -> memref<20x80xi32, #tpu.memory_space<hbm>>
      %dma_start3A_18 = arith.constant 0 : i32
      %dma_start3A_19 = arith.constant 0 : i32
      %dma_start3A_20 = tpu.memref_slice %arg3[%add3A, %dma_start3A_18, %dma_start3A_19] : memref<32x20x80xi32, #tpu.memory_space<hbm>> -> memref<1x20x80xi32, #tpu.memory_space<hbm>>
      %dma_start3A_21 = tpu.memref_squeeze %dma_start3A_20 : memref<1x20x80xi32, #tpu.memory_space<hbm>> -> memref<20x80xi32, #tpu.memory_space<hbm>>
      tpu.enqueue_dma source(%dma_start3A_21 : memref<20x80xi32, #tpu.memory_space<hbm>>) target(%arg5 : memref<20x80xi32, #tpu.memory_space<vmem>>) target_semaphore(%run_scoped3A : memref<!tpu.dma_semaphore, #tpu.memory_space<semaphore_mem>>)
      %dma_wait3A = arith.constant 0 : i32
      %dma_wait3A_22 = arith.constant 0 : i32
      %dma_wait3A_23 = tpu.memref_slice %arg3[%add3A, %dma_wait3A, %dma_wait3A_22] : memref<32x20x80xi32, #tpu.memory_space<hbm>> -> memref<1x20x80xi32, #tpu.memory_space<hbm>>
      %dma_wait3A_24 = tpu.memref_squeeze %dma_wait3A_23 : memref<1x20x80xi32, #tpu.memory_space<hbm>> -> memref<20x80xi32, #tpu.memory_space<hbm>>
      %dma_wait3A_25 = arith.constant 0 : i32
      %dma_wait3A_26 = arith.constant 0 : i32
      %dma_wait3A_27 = tpu.memref_slice %arg3[%add3A, %dma_wait3A_25, %dma_wait3A_26] : memref<32x20x80xi32, #tpu.memory_space<hbm>> -> memref<1x20x80xi32, #tpu.memory_space<hbm>>
      %dma_wait3A_28 = tpu.memref_squeeze %dma_wait3A_27 : memref<1x20x80xi32, #tpu.memory_space<hbm>> -> memref<20x80xi32, #tpu.memory_space<hbm>>
      tpu.wait_dma2 semaphore(%run_scoped3A : memref<!tpu.dma_semaphore, #tpu.memory_space<semaphore_mem>>) src(%dma_wait3A_28 : memref<20x80xi32, #tpu.memory_space<hbm>>) dst(%arg5 : memref<20x80xi32, #tpu.memory_space<vmem>>)
      tpu.yield
    }) : () -> ()
    %dma_start3A = arith.constant 0 : i32
    %dma_start3A_3 = arith.constant 0 : i32
    %dma_start3A_4 = tpu.memref_slice %arg5[%dma_start3A, %dma_start3A_3] : memref<20x80xi32, #tpu.memory_space<vmem>> -> memref<1x80xi32, #tpu.memory_space<vmem>>
    %dma_start3A_5 = tpu.memref_squeeze %dma_start3A_4 : memref<1x80xi32, #tpu.memory_space<vmem>> -> memref<80xi32, #tpu.memory_space<vmem>>
    %dma_start3A_6 = arith.constant 0 : i32
    %dma_start3A_7 = arith.constant 0 : i32
    %dma_start3A_8 = tpu.memref_slice %arg2[%dma_start3A_6, %dma_start3A_7] : memref<30000x128xf32, #tpu.memory_space<hbm>> -> memref<30000x128xf32, #tpu.memory_space<hbm>>
    tpu.enqueue_indirect_dma source(%dma_start3A_8 : memref<30000x128xf32, #tpu.memory_space<hbm>>) target(%arg6 : memref<80x128xf32, #tpu.memory_space<vmem>>) offsets(%dma_start3A_5 : memref<80xi32, #tpu.memory_space<vmem>>) semaphore(%arg8 : memref<!tpu.dma_semaphore, #tpu.memory_space<semaphore_mem>>)
    %scan3A = arith.constant 0 : i32
    %scan3A_9 = arith.constant 0 : i32
    %scan3A_10 = arith.constant 10 : i32
    %scan3A_11 = arith.addi %scan3A_9, %scan3A_10 : i32
    %scan3A_12 = arith.constant 1 : i32
    scf.for %scan3A_14 = %scan3A_9 to %scan3A_11 step %scan3A_12  : i32 {
      %mul3A_15 = arith.constant 2 : i32
      %mul3A_16 = arith.muli %mul3A_15, %scan3A_14 : i32
      %add3A_17 = arith.constant 1 : i32
      %add3A_18 = arith.addi %mul3A_16, %add3A_17 : i32
      %dma_wait3A = arith.constant 0 : i32
      %dma_wait3A_19 = tpu.memref_slice %arg5[%mul3A_16, %dma_wait3A] : memref<20x80xi32, #tpu.memory_space<vmem>> -> memref<1x80xi32, #tpu.memory_space<vmem>>
      %dma_wait3A_20 = tpu.memref_squeeze %dma_wait3A_19 : memref<1x80xi32, #tpu.memory_space<vmem>> -> memref<80xi32, #tpu.memory_space<vmem>>
      %dma_wait3A_21 = arith.constant 0 : i32
      %dma_wait3A_22 = arith.constant 0 : i32
      %dma_wait3A_23 = tpu.memref_slice %arg2[%dma_wait3A_21, %dma_wait3A_22] : memref<30000x128xf32, #tpu.memory_space<hbm>> -> memref<30000x128xf32, #tpu.memory_space<hbm>>
      tpu.wait_indirect_dma semaphore(%arg8 : memref<!tpu.dma_semaphore, #tpu.memory_space<semaphore_mem>>) src(%dma_wait3A_23 : memref<30000x128xf32, #tpu.memory_space<hbm>>) dst(%arg6 : memref<80x128xf32, #tpu.memory_space<vmem>>)
      %dma_start3A_24 = arith.constant 0 : i32
      %dma_start3A_25 = tpu.memref_slice %arg5[%add3A_18, %dma_start3A_24] : memref<20x80xi32, #tpu.memory_space<vmem>> -> memref<1x80xi32, #tpu.memory_space<vmem>>
      %dma_start3A_26 = tpu.memref_squeeze %dma_start3A_25 : memref<1x80xi32, #tpu.memory_space<vmem>> -> memref<80xi32, #tpu.memory_space<vmem>>
      %dma_start3A_27 = arith.constant 0 : i32
      %dma_start3A_28 = arith.constant 0 : i32
      %dma_start3A_29 = tpu.memref_slice %arg2[%dma_start3A_27, %dma_start3A_28] : memref<30000x128xf32, #tpu.memory_space<hbm>> -> memref<30000x128xf32, #tpu.memory_space<hbm>>
      tpu.enqueue_indirect_dma source(%dma_start3A_29 : memref<30000x128xf32, #tpu.memory_space<hbm>>) target(%arg7 : memref<80x128xf32, #tpu.memory_space<vmem>>) offsets(%dma_start3A_26 : memref<80xi32, #tpu.memory_space<vmem>>) semaphore(%arg9 : memref<!tpu.dma_semaphore, #tpu.memory_space<semaphore_mem>>)
      %mul3A_30 = arith.constant 80 : i32
      %mul3A_31 = arith.muli %mul3A_16, %mul3A_30 : i32
      %add3A_32 = arith.addi %mul3A_2, %mul3A_31 : i32
      "tpu.region"() ({
        %run_scoped3A = tpu.sem_alloc : memref<!tpu.dma_semaphore, #tpu.memory_space<semaphore_mem>>
        %dma_start3A_46 = arith.constant 0 : i32
        %dma_start3A_47 = tpu.memref_slice %arg4[%add3A_32, %dma_start3A_46] : memref<51200x128xf32, #tpu.memory_space<hbm>> -> memref<80x128xf32, #tpu.memory_space<hbm>>
        %dma_start3A_48 = arith.constant 0 : i32
        %dma_start3A_49 = tpu.memref_slice %arg4[%add3A_32, %dma_start3A_48] : memref<51200x128xf32, #tpu.memory_space<hbm>> -> memref<80x128xf32, #tpu.memory_space<hbm>>
        tpu.enqueue_dma source(%arg6 : memref<80x128xf32, #tpu.memory_space<vmem>>) target(%dma_start3A_49 : memref<80x128xf32, #tpu.memory_space<hbm>>) target_semaphore(%run_scoped3A : memref<!tpu.dma_semaphore, #tpu.memory_space<semaphore_mem>>)
        %dma_wait3A_50 = arith.constant 0 : i32
        %dma_wait3A_51 = tpu.memref_slice %arg4[%add3A_32, %dma_wait3A_50] : memref<51200x128xf32, #tpu.memory_space<hbm>> -> memref<80x128xf32, #tpu.memory_space<hbm>>
        %dma_wait3A_52 = arith.constant 0 : i32
        %dma_wait3A_53 = tpu.memref_slice %arg4[%add3A_32, %dma_wait3A_52] : memref<51200x128xf32, #tpu.memory_space<hbm>> -> memref<80x128xf32, #tpu.memory_space<hbm>>
        tpu.wait_dma2 semaphore(%run_scoped3A : memref<!tpu.dma_semaphore, #tpu.memory_space<semaphore_mem>>) src(%arg6 : memref<80x128xf32, #tpu.memory_space<vmem>>) dst(%dma_wait3A_53 : memref<80x128xf32, #tpu.memory_space<hbm>>)
        tpu.yield
      }) : () -> ()
      %dma_wait3A_33 = arith.constant 0 : i32
      %dma_wait3A_34 = tpu.memref_slice %arg5[%add3A_18, %dma_wait3A_33] : memref<20x80xi32, #tpu.memory_space<vmem>> -> memref<1x80xi32, #tpu.memory_space<vmem>>
      %dma_wait3A_35 = tpu.memref_squeeze %dma_wait3A_34 : memref<1x80xi32, #tpu.memory_space<vmem>> -> memref<80xi32, #tpu.memory_space<vmem>>
      %dma_wait3A_36 = arith.constant 0 : i32
      %dma_wait3A_37 = arith.constant 0 : i32
      %dma_wait3A_38 = tpu.memref_slice %arg2[%dma_wait3A_36, %dma_wait3A_37] : memref<30000x128xf32, #tpu.memory_space<hbm>> -> memref<30000x128xf32, #tpu.memory_space<hbm>>
      tpu.wait_indirect_dma semaphore(%arg9 : memref<!tpu.dma_semaphore, #tpu.memory_space<semaphore_mem>>) src(%dma_wait3A_38 : memref<30000x128xf32, #tpu.memory_space<hbm>>) dst(%arg7 : memref<80x128xf32, #tpu.memory_space<vmem>>)
      %add3A_39 = arith.constant 1 : i32
      %add3A_40 = arith.addi %add3A_18, %add3A_39 : i32
      %lt3A = arith.constant 20 : i32
      %lt3A_41 = arith.cmpi slt, %add3A_40, %lt3A : i32
      %convert_element_type3A = arith.extui %lt3A_41 : i1 to i32
      %cond3A = arith.constant 0 : i32
      %cond3A_42 = arith.cmpi ne, %convert_element_type3A, %cond3A : i32
      scf.if %cond3A_42 {
        %add3A_46 = arith.constant 1 : i32
        %add3A_47 = arith.addi %add3A_18, %add3A_46 : i32
        %dma_start3A_48 = arith.constant 0 : i32
        %dma_start3A_49 = tpu.memref_slice %arg5[%add3A_47, %dma_start3A_48] : memref<20x80xi32, #tpu.memory_space<vmem>> -> memref<1x80xi32, #tpu.memory_space<vmem>>
        %dma_start3A_50 = tpu.memref_squeeze %dma_start3A_49 : memref<1x80xi32, #tpu.memory_space<vmem>> -> memref<80xi32, #tpu.memory_space<vmem>>
        %dma_start3A_51 = arith.constant 0 : i32
        %dma_start3A_52 = arith.constant 0 : i32
        %dma_start3A_53 = tpu.memref_slice %arg2[%dma_start3A_51, %dma_start3A_52] : memref<30000x128xf32, #tpu.memory_space<hbm>> -> memref<30000x128xf32, #tpu.memory_space<hbm>>
        tpu.enqueue_indirect_dma source(%dma_start3A_53 : memref<30000x128xf32, #tpu.memory_space<hbm>>) target(%arg6 : memref<80x128xf32, #tpu.memory_space<vmem>>) offsets(%dma_start3A_50 : memref<80xi32, #tpu.memory_space<vmem>>) semaphore(%arg8 : memref<!tpu.dma_semaphore, #tpu.memory_space<semaphore_mem>>)
      } else {
      }
      %mul3A_43 = arith.constant 80 : i32
      %mul3A_44 = arith.muli %add3A_18, %mul3A_43 : i32
      %add3A_45 = arith.addi %mul3A_2, %mul3A_44 : i32
      "tpu.region"() ({
        %run_scoped3A = tpu.sem_alloc : memref<!tpu.dma_semaphore, #tpu.memory_space<semaphore_mem>>
        %dma_start3A_46 = arith.constant 0 : i32
        %dma_start3A_47 = tpu.memref_slice %arg4[%add3A_45, %dma_start3A_46] : memref<51200x128xf32, #tpu.memory_space<hbm>> -> memref<80x128xf32, #tpu.memory_space<hbm>>
        %dma_start3A_48 = arith.constant 0 : i32
        %dma_start3A_49 = tpu.memref_slice %arg4[%add3A_45, %dma_start3A_48] : memref<51200x128xf32, #tpu.memory_space<hbm>> -> memref<80x128xf32, #tpu.memory_space<hbm>>
        tpu.enqueue_dma source(%arg7 : memref<80x128xf32, #tpu.memory_space<vmem>>) target(%dma_start3A_49 : memref<80x128xf32, #tpu.memory_space<hbm>>) target_semaphore(%run_scoped3A : memref<!tpu.dma_semaphore, #tpu.memory_space<semaphore_mem>>)
        %dma_wait3A_50 = arith.constant 0 : i32
        %dma_wait3A_51 = tpu.memref_slice %arg4[%add3A_45, %dma_wait3A_50] : memref<51200x128xf32, #tpu.memory_space<hbm>> -> memref<80x128xf32, #tpu.memory_space<hbm>>
        %dma_wait3A_52 = arith.constant 0 : i32
        %dma_wait3A_53 = tpu.memref_slice %arg4[%add3A_45, %dma_wait3A_52] : memref<51200x128xf32, #tpu.memory_space<hbm>> -> memref<80x128xf32, #tpu.memory_space<hbm>>
        tpu.wait_dma2 semaphore(%run_scoped3A : memref<!tpu.dma_semaphore, #tpu.memory_space<semaphore_mem>>) src(%arg7 : memref<80x128xf32, #tpu.memory_space<vmem>>) dst(%dma_wait3A_53 : memref<80x128xf32, #tpu.memory_space<hbm>>)
        tpu.yield
      }) : () -> ()
    }
    %scan3A_13 = arith.constant 10 : i32
    return
  }
}

#map = affine_map<(d0, d1) -> (0, 0)>
#map1 = affine_map<(d0, d1) -> (0, 0, 0)>
module attributes {stable_mosaic.version = 14 : i64} {
  func.func @gather_kernel(%arg0: i32, %arg1: i32, %arg2: memref<30000x128xf32, #tpu.memory_space<hbm>>, %arg3: memref<32x20x80xi32, #tpu.memory_space<hbm>>, %arg4: memref<51200x128xf32, #tpu.memory_space<hbm>>, %arg5: memref<20x80xi32, #tpu.memory_space<vmem>>, %arg6: memref<80x128xf32, #tpu.memory_space<vmem>>, %arg7: memref<80x128xf32, #tpu.memory_space<vmem>>, %arg8: memref<!tpu.dma_semaphore, #tpu.memory_space<semaphore_mem>>, %arg9: memref<!tpu.dma_semaphore, #tpu.memory_space<semaphore_mem>>) attributes {dimension_semantics = [#tpu.dimension_semantics<core_parallel>, #tpu.dimension_semantics<subcore_parallel>], iteration_bounds = array<i64: 2, 16>, scalar_prefetch = 0 : i64, scratch_operands = 5 : i64, tpu.core_type = #tpu.core_type<sc_vector_subcore>, window_params = [{transform_indices = #map}, {transform_indices = #map1}, {transform_indices = #map}]} {
    %mul3A = arith.constant 2 : i32
    %mul3A_0 = arith.muli %arg1, %mul3A : i32
    %add3A = arith.addi %mul3A_0, %arg0 : i32
    %mul3A_1 = arith.constant 1600 : i32
    %mul3A_2 = arith.muli %add3A, %mul3A_1 : i32
    "tpu.region"() ({
      %run_scoped3A = tpu.sem_alloc : memref<!tpu.dma_semaphore, #tpu.memory_space<semaphore_mem>>
      %dma_start3A_14 = arith.constant 0 : i32
      %dma_start3A_15 = arith.constant 0 : i32
      %dma_start3A_16 = tpu.memref_slice %arg3[%add3A, %dma_start3A_14, %dma_start3A_15] : memref<32x20x80xi32, #tpu.memory_space<hbm>> -> memref<1x20x80xi32, #tpu.memory_space<hbm>>
      %dma_start3A_17 = tpu.memref_squeeze %dma_start3A_16 : memref<1x20x80xi32, #tpu.memory_space<hbm>> -> memref<20x80xi32, #tpu.memory_space<hbm>>
      %dma_start3A_18 = arith.constant 0 : i32
      %dma_start3A_19 = arith.constant 0 : i32
      %dma_start3A_20 = tpu.memref_slice %arg3[%add3A, %dma_start3A_18, %dma_start3A_19] : memref<32x20x80xi32, #tpu.memory_space<hbm>> -> memref<1x20x80xi32, #tpu.memory_space<hbm>>
      %dma_start3A_21 = tpu.memref_squeeze %dma_start3A_20 : memref<1x20x80xi32, #tpu.memory_space<hbm>> -> memref<20x80xi32, #tpu.memory_space<hbm>>
      tpu.enqueue_dma source(%dma_start3A_21 : memref<20x80xi32, #tpu.memory_space<hbm>>) target(%arg5 : memref<20x80xi32, #tpu.memory_space<vmem>>) target_semaphore(%run_scoped3A : memref<!tpu.dma_semaphore, #tpu.memory_space<semaphore_mem>>)
      %dma_wait3A = arith.constant 0 : i32
      %dma_wait3A_22 = arith.constant 0 : i32
      %dma_wait3A_23 = tpu.memref_slice %arg3[%add3A, %dma_wait3A, %dma_wait3A_22] : memref<32x20x80xi32, #tpu.memory_space<hbm>> -> memref<1x20x80xi32, #tpu.memory_space<hbm>>
      %dma_wait3A_24 = tpu.memref_squeeze %dma_wait3A_23 : memref<1x20x80xi32, #tpu.memory_space<hbm>> -> memref<20x80xi32, #tpu.memory_space<hbm>>
      %dma_wait3A_25 = arith.constant 0 : i32
      %dma_wait3A_26 = arith.constant 0 : i32
      %dma_wait3A_27 = tpu.memref_slice %arg3[%add3A, %dma_wait3A_25, %dma_wait3A_26] : memref<32x20x80xi32, #tpu.memory_space<hbm>> -> memref<1x20x80xi32, #tpu.memory_space<hbm>>
      %dma_wait3A_28 = tpu.memref_squeeze %dma_wait3A_27 : memref<1x20x80xi32, #tpu.memory_space<hbm>> -> memref<20x80xi32, #tpu.memory_space<hbm>>
      tpu.wait_dma2 semaphore(%run_scoped3A : memref<!tpu.dma_semaphore, #tpu.memory_space<semaphore_mem>>) src(%dma_wait3A_28 : memref<20x80xi32, #tpu.memory_space<hbm>>) dst(%arg5 : memref<20x80xi32, #tpu.memory_space<vmem>>)
      tpu.yield
    }) : () -> ()
    %dma_start3A = arith.constant 0 : i32
    %dma_start3A_3 = arith.constant 0 : i32
    %dma_start3A_4 = tpu.memref_slice %arg5[%dma_start3A, %dma_start3A_3] : memref<20x80xi32, #tpu.memory_space<vmem>> -> memref<1x80xi32, #tpu.memory_space<vmem>>
    %dma_start3A_5 = tpu.memref_squeeze %dma_start3A_4 : memref<1x80xi32, #tpu.memory_space<vmem>> -> memref<80xi32, #tpu.memory_space<vmem>>
    %dma_start3A_6 = arith.constant 0 : i32
    %dma_start3A_7 = arith.constant 0 : i32
    %dma_start3A_8 = tpu.memref_slice %arg2[%dma_start3A_6, %dma_start3A_7] : memref<30000x128xf32, #tpu.memory_space<hbm>> -> memref<30000x128xf32, #tpu.memory_space<hbm>>
    tpu.enqueue_indirect_dma source(%dma_start3A_8 : memref<30000x128xf32, #tpu.memory_space<hbm>>) target(%arg6 : memref<80x128xf32, #tpu.memory_space<vmem>>) offsets(%dma_start3A_5 : memref<80xi32, #tpu.memory_space<vmem>>) semaphore(%arg8 : memref<!tpu.dma_semaphore, #tpu.memory_space<semaphore_mem>>)
    %scan3A = arith.constant 0 : i32
    %scan3A_9 = arith.constant 0 : i32
    %scan3A_10 = arith.constant 10 : i32
    %scan3A_11 = arith.addi %scan3A_9, %scan3A_10 : i32
    %scan3A_12 = arith.constant 1 : i32
    scf.for %scan3A_14 = %scan3A_9 to %scan3A_11 step %scan3A_12  : i32 {
      %mul3A_15 = arith.constant 2 : i32
      %mul3A_16 = arith.muli %mul3A_15, %scan3A_14 : i32
      %add3A_17 = arith.constant 1 : i32
      %add3A_18 = arith.addi %mul3A_16, %add3A_17 : i32
      %dma_wait3A = arith.constant 0 : i32
      %dma_wait3A_19 = tpu.memref_slice %arg5[%mul3A_16, %dma_wait3A] : memref<20x80xi32, #tpu.memory_space<vmem>> -> memref<1x80xi32, #tpu.memory_space<vmem>>
      %dma_wait3A_20 = tpu.memref_squeeze %dma_wait3A_19 : memref<1x80xi32, #tpu.memory_space<vmem>> -> memref<80xi32, #tpu.memory_space<vmem>>
      %dma_wait3A_21 = arith.constant 0 : i32
      %dma_wait3A_22 = arith.constant 0 : i32
      %dma_wait3A_23 = tpu.memref_slice %arg2[%dma_wait3A_21, %dma_wait3A_22] : memref<30000x128xf32, #tpu.memory_space<hbm>> -> memref<30000x128xf32, #tpu.memory_space<hbm>>
      tpu.wait_indirect_dma semaphore(%arg8 : memref<!tpu.dma_semaphore, #tpu.memory_space<semaphore_mem>>) src(%dma_wait3A_23 : memref<30000x128xf32, #tpu.memory_space<hbm>>) dst(%arg6 : memref<80x128xf32, #tpu.memory_space<vmem>>)
      %dma_start3A_24 = arith.constant 0 : i32
      %dma_start3A_25 = tpu.memref_slice %arg5[%add3A_18, %dma_start3A_24] : memref<20x80xi32, #tpu.memory_space<vmem>> -> memref<1x80xi32, #tpu.memory_space<vmem>>
      %dma_start3A_26 = tpu.memref_squeeze %dma_start3A_25 : memref<1x80xi32, #tpu.memory_space<vmem>> -> memref<80xi32, #tpu.memory_space<vmem>>
      %dma_start3A_27 = arith.constant 0 : i32
      %dma_start3A_28 = arith.constant 0 : i32
      %dma_start3A_29 = tpu.memref_slice %arg2[%dma_start3A_27, %dma_start3A_28] : memref<30000x128xf32, #tpu.memory_space<hbm>> -> memref<30000x128xf32, #tpu.memory_space<hbm>>
      tpu.enqueue_indirect_dma source(%dma_start3A_29 : memref<30000x128xf32, #tpu.memory_space<hbm>>) target(%arg7 : memref<80x128xf32, #tpu.memory_space<vmem>>) offsets(%dma_start3A_26 : memref<80xi32, #tpu.memory_space<vmem>>) semaphore(%arg9 : memref<!tpu.dma_semaphore, #tpu.memory_space<semaphore_mem>>)
      %mul3A_30 = arith.constant 80 : i32
      %mul3A_31 = arith.muli %mul3A_16, %mul3A_30 : i32
      %add3A_32 = arith.addi %mul3A_2, %mul3A_31 : i32
      "tpu.region"() ({
        %run_scoped3A = tpu.sem_alloc : memref<!tpu.dma_semaphore, #tpu.memory_space<semaphore_mem>>
        %dma_start3A_46 = arith.constant 0 : i32
        %dma_start3A_47 = tpu.memref_slice %arg4[%add3A_32, %dma_start3A_46] : memref<51200x128xf32, #tpu.memory_space<hbm>> -> memref<80x128xf32, #tpu.memory_space<hbm>>
        %dma_start3A_48 = arith.constant 0 : i32
        %dma_start3A_49 = tpu.memref_slice %arg4[%add3A_32, %dma_start3A_48] : memref<51200x128xf32, #tpu.memory_space<hbm>> -> memref<80x128xf32, #tpu.memory_space<hbm>>
        tpu.enqueue_dma source(%arg6 : memref<80x128xf32, #tpu.memory_space<vmem>>) target(%dma_start3A_49 : memref<80x128xf32, #tpu.memory_space<hbm>>) target_semaphore(%run_scoped3A : memref<!tpu.dma_semaphore, #tpu.memory_space<semaphore_mem>>)
        %dma_wait3A_50 = arith.constant 0 : i32
        %dma_wait3A_51 = tpu.memref_slice %arg4[%add3A_32, %dma_wait3A_50] : memref<51200x128xf32, #tpu.memory_space<hbm>> -> memref<80x128xf32, #tpu.memory_space<hbm>>
        %dma_wait3A_52 = arith.constant 0 : i32
        %dma_wait3A_53 = tpu.memref_slice %arg4[%add3A_32, %dma_wait3A_52] : memref<51200x128xf32, #tpu.memory_space<hbm>> -> memref<80x128xf32, #tpu.memory_space<hbm>>
        tpu.wait_dma2 semaphore(%run_scoped3A : memref<!tpu.dma_semaphore, #tpu.memory_space<semaphore_mem>>) src(%arg6 : memref<80x128xf32, #tpu.memory_space<vmem>>) dst(%dma_wait3A_53 : memref<80x128xf32, #tpu.memory_space<hbm>>)
        tpu.yield
      }) : () -> ()
      %dma_wait3A_33 = arith.constant 0 : i32
      %dma_wait3A_34 = tpu.memref_slice %arg5[%add3A_18, %dma_wait3A_33] : memref<20x80xi32, #tpu.memory_space<vmem>> -> memref<1x80xi32, #tpu.memory_space<vmem>>
      %dma_wait3A_35 = tpu.memref_squeeze %dma_wait3A_34 : memref<1x80xi32, #tpu.memory_space<vmem>> -> memref<80xi32, #tpu.memory_space<vmem>>
      %dma_wait3A_36 = arith.constant 0 : i32
      %dma_wait3A_37 = arith.constant 0 : i32
      %dma_wait3A_38 = tpu.memref_slice %arg2[%dma_wait3A_36, %dma_wait3A_37] : memref<30000x128xf32, #tpu.memory_space<hbm>> -> memref<30000x128xf32, #tpu.memory_space<hbm>>
      tpu.wait_indirect_dma semaphore(%arg9 : memref<!tpu.dma_semaphore, #tpu.memory_space<semaphore_mem>>) src(%dma_wait3A_38 : memref<30000x128xf32, #tpu.memory_space<hbm>>) dst(%arg7 : memref<80x128xf32, #tpu.memory_space<vmem>>)
      %add3A_39 = arith.constant 1 : i32
      %add3A_40 = arith.addi %add3A_18, %add3A_39 : i32
      %lt3A = arith.constant 20 : i32
      %lt3A_41 = arith.cmpi slt, %add3A_40, %lt3A : i32
      %convert_element_type3A = arith.extui %lt3A_41 : i1 to i32
      %cond3A = arith.constant 0 : i32
      %cond3A_42 = arith.cmpi ne, %convert_element_type3A, %cond3A : i32
      scf.if %cond3A_42 {
        %add3A_46 = arith.constant 1 : i32
        %add3A_47 = arith.addi %add3A_18, %add3A_46 : i32
        %dma_start3A_48 = arith.constant 0 : i32
        %dma_start3A_49 = tpu.memref_slice %arg5[%add3A_47, %dma_start3A_48] : memref<20x80xi32, #tpu.memory_space<vmem>> -> memref<1x80xi32, #tpu.memory_space<vmem>>
        %dma_start3A_50 = tpu.memref_squeeze %dma_start3A_49 : memref<1x80xi32, #tpu.memory_space<vmem>> -> memref<80xi32, #tpu.memory_space<vmem>>
        %dma_start3A_51 = arith.constant 0 : i32
        %dma_start3A_52 = arith.constant 0 : i32
        %dma_start3A_53 = tpu.memref_slice %arg2[%dma_start3A_51, %dma_start3A_52] : memref<30000x128xf32, #tpu.memory_space<hbm>> -> memref<30000x128xf32, #tpu.memory_space<hbm>>
        tpu.enqueue_indirect_dma source(%dma_start3A_53 : memref<30000x128xf32, #tpu.memory_space<hbm>>) target(%arg6 : memref<80x128xf32, #tpu.memory_space<vmem>>) offsets(%dma_start3A_50 : memref<80xi32, #tpu.memory_space<vmem>>) semaphore(%arg8 : memref<!tpu.dma_semaphore, #tpu.memory_space<semaphore_mem>>)
      } else {
      }
      %mul3A_43 = arith.constant 80 : i32
      %mul3A_44 = arith.muli %add3A_18, %mul3A_43 : i32
      %add3A_45 = arith.addi %mul3A_2, %mul3A_44 : i32
      "tpu.region"() ({
        %run_scoped3A = tpu.sem_alloc : memref<!tpu.dma_semaphore, #tpu.memory_space<semaphore_mem>>
        %dma_start3A_46 = arith.constant 0 : i32
        %dma_start3A_47 = tpu.memref_slice %arg4[%add3A_45, %dma_start3A_46] : memref<51200x128xf32, #tpu.memory_space<hbm>> -> memref<80x128xf32, #tpu.memory_space<hbm>>
        %dma_start3A_48 = arith.constant 0 : i32
        %dma_start3A_49 = tpu.memref_slice %arg4[%add3A_45, %dma_start3A_48] : memref<51200x128xf32, #tpu.memory_space<hbm>> -> memref<80x128xf32, #tpu.memory_space<hbm>>
        tpu.enqueue_dma source(%arg7 : memref<80x128xf32, #tpu.memory_space<vmem>>) target(%dma_start3A_49 : memref<80x128xf32, #tpu.memory_space<hbm>>) target_semaphore(%run_scoped3A : memref<!tpu.dma_semaphore, #tpu.memory_space<semaphore_mem>>)
        %dma_wait3A_50 = arith.constant 0 : i32
        %dma_wait3A_51 = tpu.memref_slice %arg4[%add3A_45, %dma_wait3A_50] : memref<51200x128xf32, #tpu.memory_space<hbm>> -> memref<80x128xf32, #tpu.memory_space<hbm>>
        %dma_wait3A_52 = arith.constant 0 : i32
        %dma_wait3A_53 = tpu.memref_slice %arg4[%add3A_45, %dma_wait3A_52] : memref<51200x128xf32, #tpu.memory_space<hbm>> -> memref<80x128xf32, #tpu.memory_space<hbm>>
        tpu.wait_dma2 semaphore(%run_scoped3A : memref<!tpu.dma_semaphore, #tpu.memory_space<semaphore_mem>>) src(%arg7 : memref<80x128xf32, #tpu.memory_space<vmem>>) dst(%dma_wait3A_53 : memref<80x128xf32, #tpu.memory_space<hbm>>)
        tpu.yield
      }) : () -> ()
    }
    %scan3A_13 = arith.constant 10 : i32
    return
  }
}

#map = affine_map<(d0, d1) -> (0, 0)>
#map1 = affine_map<(d0, d1) -> (0, 0, 0)>
module attributes {stable_mosaic.version = 14 : i64} {
  func.func @gather_kernel(%arg0: i32, %arg1: i32, %arg2: memref<30000x128xf32, #tpu.memory_space<hbm>>, %arg3: memref<32x20x80xi32, #tpu.memory_space<hbm>>, %arg4: memref<51200x128xf32, #tpu.memory_space<hbm>>, %arg5: memref<20x80xi32, #tpu.memory_space<vmem>>, %arg6: memref<80x128xf32, #tpu.memory_space<vmem>>, %arg7: memref<80x128xf32, #tpu.memory_space<vmem>>, %arg8: memref<!tpu.dma_semaphore, #tpu.memory_space<semaphore_mem>>, %arg9: memref<!tpu.dma_semaphore, #tpu.memory_space<semaphore_mem>>) attributes {dimension_semantics = [#tpu.dimension_semantics<core_parallel>, #tpu.dimension_semantics<subcore_parallel>], iteration_bounds = array<i64: 2, 16>, scalar_prefetch = 0 : i64, scratch_operands = 5 : i64, tpu.core_type = #tpu.core_type<sc_vector_subcore>, window_params = [{transform_indices = #map}, {transform_indices = #map1}, {transform_indices = #map}]} {
    %mul3A = arith.constant 2 : i32
    %mul3A_0 = arith.muli %arg1, %mul3A : i32
    %add3A = arith.addi %mul3A_0, %arg0 : i32
    %mul3A_1 = arith.constant 1600 : i32
    %mul3A_2 = arith.muli %add3A, %mul3A_1 : i32
    "tpu.region"() ({
      %run_scoped3A = tpu.sem_alloc : memref<!tpu.dma_semaphore, #tpu.memory_space<semaphore_mem>>
      %dma_start3A_14 = arith.constant 0 : i32
      %dma_start3A_15 = arith.constant 0 : i32
      %dma_start3A_16 = tpu.memref_slice %arg3[%add3A, %dma_start3A_14, %dma_start3A_15] : memref<32x20x80xi32, #tpu.memory_space<hbm>> -> memref<1x20x80xi32, #tpu.memory_space<hbm>>
      %dma_start3A_17 = tpu.memref_squeeze %dma_start3A_16 : memref<1x20x80xi32, #tpu.memory_space<hbm>> -> memref<20x80xi32, #tpu.memory_space<hbm>>
      %dma_start3A_18 = arith.constant 0 : i32
      %dma_start3A_19 = arith.constant 0 : i32
      %dma_start3A_20 = tpu.memref_slice %arg3[%add3A, %dma_start3A_18, %dma_start3A_19] : memref<32x20x80xi32, #tpu.memory_space<hbm>> -> memref<1x20x80xi32, #tpu.memory_space<hbm>>
      %dma_start3A_21 = tpu.memref_squeeze %dma_start3A_20 : memref<1x20x80xi32, #tpu.memory_space<hbm>> -> memref<20x80xi32, #tpu.memory_space<hbm>>
      tpu.enqueue_dma source(%dma_start3A_21 : memref<20x80xi32, #tpu.memory_space<hbm>>) target(%arg5 : memref<20x80xi32, #tpu.memory_space<vmem>>) target_semaphore(%run_scoped3A : memref<!tpu.dma_semaphore, #tpu.memory_space<semaphore_mem>>)
      %dma_wait3A = arith.constant 0 : i32
      %dma_wait3A_22 = arith.constant 0 : i32
      %dma_wait3A_23 = tpu.memref_slice %arg3[%add3A, %dma_wait3A, %dma_wait3A_22] : memref<32x20x80xi32, #tpu.memory_space<hbm>> -> memref<1x20x80xi32, #tpu.memory_space<hbm>>
      %dma_wait3A_24 = tpu.memref_squeeze %dma_wait3A_23 : memref<1x20x80xi32, #tpu.memory_space<hbm>> -> memref<20x80xi32, #tpu.memory_space<hbm>>
      %dma_wait3A_25 = arith.constant 0 : i32
      %dma_wait3A_26 = arith.constant 0 : i32
      %dma_wait3A_27 = tpu.memref_slice %arg3[%add3A, %dma_wait3A_25, %dma_wait3A_26] : memref<32x20x80xi32, #tpu.memory_space<hbm>> -> memref<1x20x80xi32, #tpu.memory_space<hbm>>
      %dma_wait3A_28 = tpu.memref_squeeze %dma_wait3A_27 : memref<1x20x80xi32, #tpu.memory_space<hbm>> -> memref<20x80xi32, #tpu.memory_space<hbm>>
      tpu.wait_dma2 semaphore(%run_scoped3A : memref<!tpu.dma_semaphore, #tpu.memory_space<semaphore_mem>>) src(%dma_wait3A_28 : memref<20x80xi32, #tpu.memory_space<hbm>>) dst(%arg5 : memref<20x80xi32, #tpu.memory_space<vmem>>)
      tpu.yield
    }) : () -> ()
    %dma_start3A = arith.constant 0 : i32
    %dma_start3A_3 = arith.constant 0 : i32
    %dma_start3A_4 = tpu.memref_slice %arg5[%dma_start3A, %dma_start3A_3] : memref<20x80xi32, #tpu.memory_space<vmem>> -> memref<1x80xi32, #tpu.memory_space<vmem>>
    %dma_start3A_5 = tpu.memref_squeeze %dma_start3A_4 : memref<1x80xi32, #tpu.memory_space<vmem>> -> memref<80xi32, #tpu.memory_space<vmem>>
    %dma_start3A_6 = arith.constant 0 : i32
    %dma_start3A_7 = arith.constant 0 : i32
    %dma_start3A_8 = tpu.memref_slice %arg2[%dma_start3A_6, %dma_start3A_7] : memref<30000x128xf32, #tpu.memory_space<hbm>> -> memref<30000x128xf32, #tpu.memory_space<hbm>>
    tpu.enqueue_indirect_dma source(%dma_start3A_8 : memref<30000x128xf32, #tpu.memory_space<hbm>>) target(%arg6 : memref<80x128xf32, #tpu.memory_space<vmem>>) offsets(%dma_start3A_5 : memref<80xi32, #tpu.memory_space<vmem>>) semaphore(%arg8 : memref<!tpu.dma_semaphore, #tpu.memory_space<semaphore_mem>>)
    %scan3A = arith.constant 0 : i32
    %scan3A_9 = arith.constant 0 : i32
    %scan3A_10 = arith.constant 10 : i32
    %scan3A_11 = arith.addi %scan3A_9, %scan3A_10 : i32
    %scan3A_12 = arith.constant 1 : i32
    scf.for %scan3A_14 = %scan3A_9 to %scan3A_11 step %scan3A_12  : i32 {
      %mul3A_15 = arith.constant 2 : i32
      %mul3A_16 = arith.muli %mul3A_15, %scan3A_14 : i32
      %add3A_17 = arith.constant 1 : i32
      %add3A_18 = arith.addi %mul3A_16, %add3A_17 : i32
      %dma_wait3A = arith.constant 0 : i32
      %dma_wait3A_19 = tpu.memref_slice %arg5[%mul3A_16, %dma_wait3A] : memref<20x80xi32, #tpu.memory_space<vmem>> -> memref<1x80xi32, #tpu.memory_space<vmem>>
      %dma_wait3A_20 = tpu.memref_squeeze %dma_wait3A_19 : memref<1x80xi32, #tpu.memory_space<vmem>> -> memref<80xi32, #tpu.memory_space<vmem>>
      %dma_wait3A_21 = arith.constant 0 : i32
      %dma_wait3A_22 = arith.constant 0 : i32
      %dma_wait3A_23 = tpu.memref_slice %arg2[%dma_wait3A_21, %dma_wait3A_22] : memref<30000x128xf32, #tpu.memory_space<hbm>> -> memref<30000x128xf32, #tpu.memory_space<hbm>>
      tpu.wait_indirect_dma semaphore(%arg8 : memref<!tpu.dma_semaphore, #tpu.memory_space<semaphore_mem>>) src(%dma_wait3A_23 : memref<30000x128xf32, #tpu.memory_space<hbm>>) dst(%arg6 : memref<80x128xf32, #tpu.memory_space<vmem>>)
      %dma_start3A_24 = arith.constant 0 : i32
      %dma_start3A_25 = tpu.memref_slice %arg5[%add3A_18, %dma_start3A_24] : memref<20x80xi32, #tpu.memory_space<vmem>> -> memref<1x80xi32, #tpu.memory_space<vmem>>
      %dma_start3A_26 = tpu.memref_squeeze %dma_start3A_25 : memref<1x80xi32, #tpu.memory_space<vmem>> -> memref<80xi32, #tpu.memory_space<vmem>>
      %dma_start3A_27 = arith.constant 0 : i32
      %dma_start3A_28 = arith.constant 0 : i32
      %dma_start3A_29 = tpu.memref_slice %arg2[%dma_start3A_27, %dma_start3A_28] : memref<30000x128xf32, #tpu.memory_space<hbm>> -> memref<30000x128xf32, #tpu.memory_space<hbm>>
      tpu.enqueue_indirect_dma source(%dma_start3A_29 : memref<30000x128xf32, #tpu.memory_space<hbm>>) target(%arg7 : memref<80x128xf32, #tpu.memory_space<vmem>>) offsets(%dma_start3A_26 : memref<80xi32, #tpu.memory_space<vmem>>) semaphore(%arg9 : memref<!tpu.dma_semaphore, #tpu.memory_space<semaphore_mem>>)
      %mul3A_30 = arith.constant 80 : i32
      %mul3A_31 = arith.muli %mul3A_16, %mul3A_30 : i32
      %add3A_32 = arith.addi %mul3A_2, %mul3A_31 : i32
      "tpu.region"() ({
        %run_scoped3A = tpu.sem_alloc : memref<!tpu.dma_semaphore, #tpu.memory_space<semaphore_mem>>
        %dma_start3A_46 = arith.constant 0 : i32
        %dma_start3A_47 = tpu.memref_slice %arg4[%add3A_32, %dma_start3A_46] : memref<51200x128xf32, #tpu.memory_space<hbm>> -> memref<80x128xf32, #tpu.memory_space<hbm>>
        %dma_start3A_48 = arith.constant 0 : i32
        %dma_start3A_49 = tpu.memref_slice %arg4[%add3A_32, %dma_start3A_48] : memref<51200x128xf32, #tpu.memory_space<hbm>> -> memref<80x128xf32, #tpu.memory_space<hbm>>
        tpu.enqueue_dma source(%arg6 : memref<80x128xf32, #tpu.memory_space<vmem>>) target(%dma_start3A_49 : memref<80x128xf32, #tpu.memory_space<hbm>>) target_semaphore(%run_scoped3A : memref<!tpu.dma_semaphore, #tpu.memory_space<semaphore_mem>>)
        %dma_wait3A_50 = arith.constant 0 : i32
        %dma_wait3A_51 = tpu.memref_slice %arg4[%add3A_32, %dma_wait3A_50] : memref<51200x128xf32, #tpu.memory_space<hbm>> -> memref<80x128xf32, #tpu.memory_space<hbm>>
        %dma_wait3A_52 = arith.constant 0 : i32
        %dma_wait3A_53 = tpu.memref_slice %arg4[%add3A_32, %dma_wait3A_52] : memref<51200x128xf32, #tpu.memory_space<hbm>> -> memref<80x128xf32, #tpu.memory_space<hbm>>
        tpu.wait_dma2 semaphore(%run_scoped3A : memref<!tpu.dma_semaphore, #tpu.memory_space<semaphore_mem>>) src(%arg6 : memref<80x128xf32, #tpu.memory_space<vmem>>) dst(%dma_wait3A_53 : memref<80x128xf32, #tpu.memory_space<hbm>>)
        tpu.yield
      }) : () -> ()
      %dma_wait3A_33 = arith.constant 0 : i32
      %dma_wait3A_34 = tpu.memref_slice %arg5[%add3A_18, %dma_wait3A_33] : memref<20x80xi32, #tpu.memory_space<vmem>> -> memref<1x80xi32, #tpu.memory_space<vmem>>
      %dma_wait3A_35 = tpu.memref_squeeze %dma_wait3A_34 : memref<1x80xi32, #tpu.memory_space<vmem>> -> memref<80xi32, #tpu.memory_space<vmem>>
      %dma_wait3A_36 = arith.constant 0 : i32
      %dma_wait3A_37 = arith.constant 0 : i32
      %dma_wait3A_38 = tpu.memref_slice %arg2[%dma_wait3A_36, %dma_wait3A_37] : memref<30000x128xf32, #tpu.memory_space<hbm>> -> memref<30000x128xf32, #tpu.memory_space<hbm>>
      tpu.wait_indirect_dma semaphore(%arg9 : memref<!tpu.dma_semaphore, #tpu.memory_space<semaphore_mem>>) src(%dma_wait3A_38 : memref<30000x128xf32, #tpu.memory_space<hbm>>) dst(%arg7 : memref<80x128xf32, #tpu.memory_space<vmem>>)
      %add3A_39 = arith.constant 1 : i32
      %add3A_40 = arith.addi %add3A_18, %add3A_39 : i32
      %lt3A = arith.constant 20 : i32
      %lt3A_41 = arith.cmpi slt, %add3A_40, %lt3A : i32
      %convert_element_type3A = arith.extui %lt3A_41 : i1 to i32
      %cond3A = arith.constant 0 : i32
      %cond3A_42 = arith.cmpi ne, %convert_element_type3A, %cond3A : i32
      scf.if %cond3A_42 {
        %add3A_46 = arith.constant 1 : i32
        %add3A_47 = arith.addi %add3A_18, %add3A_46 : i32
        %dma_start3A_48 = arith.constant 0 : i32
        %dma_start3A_49 = tpu.memref_slice %arg5[%add3A_47, %dma_start3A_48] : memref<20x80xi32, #tpu.memory_space<vmem>> -> memref<1x80xi32, #tpu.memory_space<vmem>>
        %dma_start3A_50 = tpu.memref_squeeze %dma_start3A_49 : memref<1x80xi32, #tpu.memory_space<vmem>> -> memref<80xi32, #tpu.memory_space<vmem>>
        %dma_start3A_51 = arith.constant 0 : i32
        %dma_start3A_52 = arith.constant 0 : i32
        %dma_start3A_53 = tpu.memref_slice %arg2[%dma_start3A_51, %dma_start3A_52] : memref<30000x128xf32, #tpu.memory_space<hbm>> -> memref<30000x128xf32, #tpu.memory_space<hbm>>
        tpu.enqueue_indirect_dma source(%dma_start3A_53 : memref<30000x128xf32, #tpu.memory_space<hbm>>) target(%arg6 : memref<80x128xf32, #tpu.memory_space<vmem>>) offsets(%dma_start3A_50 : memref<80xi32, #tpu.memory_space<vmem>>) semaphore(%arg8 : memref<!tpu.dma_semaphore, #tpu.memory_space<semaphore_mem>>)
      } else {
      }
      %mul3A_43 = arith.constant 80 : i32
      %mul3A_44 = arith.muli %add3A_18, %mul3A_43 : i32
      %add3A_45 = arith.addi %mul3A_2, %mul3A_44 : i32
      "tpu.region"() ({
        %run_scoped3A = tpu.sem_alloc : memref<!tpu.dma_semaphore, #tpu.memory_space<semaphore_mem>>
        %dma_start3A_46 = arith.constant 0 : i32
        %dma_start3A_47 = tpu.memref_slice %arg4[%add3A_45, %dma_start3A_46] : memref<51200x128xf32, #tpu.memory_space<hbm>> -> memref<80x128xf32, #tpu.memory_space<hbm>>
        %dma_start3A_48 = arith.constant 0 : i32
        %dma_start3A_49 = tpu.memref_slice %arg4[%add3A_45, %dma_start3A_48] : memref<51200x128xf32, #tpu.memory_space<hbm>> -> memref<80x128xf32, #tpu.memory_space<hbm>>
        tpu.enqueue_dma source(%arg7 : memref<80x128xf32, #tpu.memory_space<vmem>>) target(%dma_start3A_49 : memref<80x128xf32, #tpu.memory_space<hbm>>) target_semaphore(%run_scoped3A : memref<!tpu.dma_semaphore, #tpu.memory_space<semaphore_mem>>)
        %dma_wait3A_50 = arith.constant 0 : i32
        %dma_wait3A_51 = tpu.memref_slice %arg4[%add3A_45, %dma_wait3A_50] : memref<51200x128xf32, #tpu.memory_space<hbm>> -> memref<80x128xf32, #tpu.memory_space<hbm>>
        %dma_wait3A_52 = arith.constant 0 : i32
        %dma_wait3A_53 = tpu.memref_slice %arg4[%add3A_45, %dma_wait3A_52] : memref<51200x128xf32, #tpu.memory_space<hbm>> -> memref<80x128xf32, #tpu.memory_space<hbm>>
        tpu.wait_dma2 semaphore(%run_scoped3A : memref<!tpu.dma_semaphore, #tpu.memory_space<semaphore_mem>>) src(%arg7 : memref<80x128xf32, #tpu.memory_space<vmem>>) dst(%dma_wait3A_53 : memref<80x128xf32, #tpu.memory_space<hbm>>)
        tpu.yield
      }) : () -> ()
    }
    %scan3A_13 = arith.constant 10 : i32
    return
  }
}

#map = affine_map<(d0, d1) -> (0, 0)>
#map1 = affine_map<(d0, d1) -> (0, 0, 0)>
module attributes {stable_mosaic.version = 14 : i64} {
  func.func @gather_kernel(%arg0: i32, %arg1: i32, %arg2: memref<30000x128xf32, #tpu.memory_space<hbm>>, %arg3: memref<32x20x80xi32, #tpu.memory_space<hbm>>, %arg4: memref<51200x128xf32, #tpu.memory_space<hbm>>, %arg5: memref<20x80xi32, #tpu.memory_space<vmem>>, %arg6: memref<80x128xf32, #tpu.memory_space<vmem>>, %arg7: memref<80x128xf32, #tpu.memory_space<vmem>>, %arg8: memref<!tpu.dma_semaphore, #tpu.memory_space<semaphore_mem>>, %arg9: memref<!tpu.dma_semaphore, #tpu.memory_space<semaphore_mem>>) attributes {dimension_semantics = [#tpu.dimension_semantics<core_parallel>, #tpu.dimension_semantics<subcore_parallel>], iteration_bounds = array<i64: 2, 16>, scalar_prefetch = 0 : i64, scratch_operands = 5 : i64, tpu.core_type = #tpu.core_type<sc_vector_subcore>, window_params = [{transform_indices = #map}, {transform_indices = #map1}, {transform_indices = #map}]} {
    %mul3A = arith.constant 2 : i32
    %mul3A_0 = arith.muli %arg1, %mul3A : i32
    %add3A = arith.addi %mul3A_0, %arg0 : i32
    %mul3A_1 = arith.constant 1600 : i32
    %mul3A_2 = arith.muli %add3A, %mul3A_1 : i32
    "tpu.region"() ({
      %run_scoped3A = tpu.sem_alloc : memref<!tpu.dma_semaphore, #tpu.memory_space<semaphore_mem>>
      %dma_start3A_14 = arith.constant 0 : i32
      %dma_start3A_15 = arith.constant 0 : i32
      %dma_start3A_16 = tpu.memref_slice %arg3[%add3A, %dma_start3A_14, %dma_start3A_15] : memref<32x20x80xi32, #tpu.memory_space<hbm>> -> memref<1x20x80xi32, #tpu.memory_space<hbm>>
      %dma_start3A_17 = tpu.memref_squeeze %dma_start3A_16 : memref<1x20x80xi32, #tpu.memory_space<hbm>> -> memref<20x80xi32, #tpu.memory_space<hbm>>
      %dma_start3A_18 = arith.constant 0 : i32
      %dma_start3A_19 = arith.constant 0 : i32
      %dma_start3A_20 = tpu.memref_slice %arg3[%add3A, %dma_start3A_18, %dma_start3A_19] : memref<32x20x80xi32, #tpu.memory_space<hbm>> -> memref<1x20x80xi32, #tpu.memory_space<hbm>>
      %dma_start3A_21 = tpu.memref_squeeze %dma_start3A_20 : memref<1x20x80xi32, #tpu.memory_space<hbm>> -> memref<20x80xi32, #tpu.memory_space<hbm>>
      tpu.enqueue_dma source(%dma_start3A_21 : memref<20x80xi32, #tpu.memory_space<hbm>>) target(%arg5 : memref<20x80xi32, #tpu.memory_space<vmem>>) target_semaphore(%run_scoped3A : memref<!tpu.dma_semaphore, #tpu.memory_space<semaphore_mem>>)
      %dma_wait3A = arith.constant 0 : i32
      %dma_wait3A_22 = arith.constant 0 : i32
      %dma_wait3A_23 = tpu.memref_slice %arg3[%add3A, %dma_wait3A, %dma_wait3A_22] : memref<32x20x80xi32, #tpu.memory_space<hbm>> -> memref<1x20x80xi32, #tpu.memory_space<hbm>>
      %dma_wait3A_24 = tpu.memref_squeeze %dma_wait3A_23 : memref<1x20x80xi32, #tpu.memory_space<hbm>> -> memref<20x80xi32, #tpu.memory_space<hbm>>
      %dma_wait3A_25 = arith.constant 0 : i32
      %dma_wait3A_26 = arith.constant 0 : i32
      %dma_wait3A_27 = tpu.memref_slice %arg3[%add3A, %dma_wait3A_25, %dma_wait3A_26] : memref<32x20x80xi32, #tpu.memory_space<hbm>> -> memref<1x20x80xi32, #tpu.memory_space<hbm>>
      %dma_wait3A_28 = tpu.memref_squeeze %dma_wait3A_27 : memref<1x20x80xi32, #tpu.memory_space<hbm>> -> memref<20x80xi32, #tpu.memory_space<hbm>>
      tpu.wait_dma2 semaphore(%run_scoped3A : memref<!tpu.dma_semaphore, #tpu.memory_space<semaphore_mem>>) src(%dma_wait3A_28 : memref<20x80xi32, #tpu.memory_space<hbm>>) dst(%arg5 : memref<20x80xi32, #tpu.memory_space<vmem>>)
      tpu.yield
    }) : () -> ()
    %dma_start3A = arith.constant 0 : i32
    %dma_start3A_3 = arith.constant 0 : i32
    %dma_start3A_4 = tpu.memref_slice %arg5[%dma_start3A, %dma_start3A_3] : memref<20x80xi32, #tpu.memory_space<vmem>> -> memref<1x80xi32, #tpu.memory_space<vmem>>
    %dma_start3A_5 = tpu.memref_squeeze %dma_start3A_4 : memref<1x80xi32, #tpu.memory_space<vmem>> -> memref<80xi32, #tpu.memory_space<vmem>>
    %dma_start3A_6 = arith.constant 0 : i32
    %dma_start3A_7 = arith.constant 0 : i32
    %dma_start3A_8 = tpu.memref_slice %arg2[%dma_start3A_6, %dma_start3A_7] : memref<30000x128xf32, #tpu.memory_space<hbm>> -> memref<30000x128xf32, #tpu.memory_space<hbm>>
    tpu.enqueue_indirect_dma source(%dma_start3A_8 : memref<30000x128xf32, #tpu.memory_space<hbm>>) target(%arg6 : memref<80x128xf32, #tpu.memory_space<vmem>>) offsets(%dma_start3A_5 : memref<80xi32, #tpu.memory_space<vmem>>) semaphore(%arg8 : memref<!tpu.dma_semaphore, #tpu.memory_space<semaphore_mem>>)
    %scan3A = arith.constant 0 : i32
    %scan3A_9 = arith.constant 0 : i32
    %scan3A_10 = arith.constant 10 : i32
    %scan3A_11 = arith.addi %scan3A_9, %scan3A_10 : i32
    %scan3A_12 = arith.constant 1 : i32
    scf.for %scan3A_14 = %scan3A_9 to %scan3A_11 step %scan3A_12  : i32 {
      %mul3A_15 = arith.constant 2 : i32
      %mul3A_16 = arith.muli %mul3A_15, %scan3A_14 : i32
      %add3A_17 = arith.constant 1 : i32
      %add3A_18 = arith.addi %mul3A_16, %add3A_17 : i32
      %dma_wait3A = arith.constant 0 : i32
      %dma_wait3A_19 = tpu.memref_slice %arg5[%mul3A_16, %dma_wait3A] : memref<20x80xi32, #tpu.memory_space<vmem>> -> memref<1x80xi32, #tpu.memory_space<vmem>>
      %dma_wait3A_20 = tpu.memref_squeeze %dma_wait3A_19 : memref<1x80xi32, #tpu.memory_space<vmem>> -> memref<80xi32, #tpu.memory_space<vmem>>
      %dma_wait3A_21 = arith.constant 0 : i32
      %dma_wait3A_22 = arith.constant 0 : i32
      %dma_wait3A_23 = tpu.memref_slice %arg2[%dma_wait3A_21, %dma_wait3A_22] : memref<30000x128xf32, #tpu.memory_space<hbm>> -> memref<30000x128xf32, #tpu.memory_space<hbm>>
      tpu.wait_indirect_dma semaphore(%arg8 : memref<!tpu.dma_semaphore, #tpu.memory_space<semaphore_mem>>) src(%dma_wait3A_23 : memref<30000x128xf32, #tpu.memory_space<hbm>>) dst(%arg6 : memref<80x128xf32, #tpu.memory_space<vmem>>)
      %dma_start3A_24 = arith.constant 0 : i32
      %dma_start3A_25 = tpu.memref_slice %arg5[%add3A_18, %dma_start3A_24] : memref<20x80xi32, #tpu.memory_space<vmem>> -> memref<1x80xi32, #tpu.memory_space<vmem>>
      %dma_start3A_26 = tpu.memref_squeeze %dma_start3A_25 : memref<1x80xi32, #tpu.memory_space<vmem>> -> memref<80xi32, #tpu.memory_space<vmem>>
      %dma_start3A_27 = arith.constant 0 : i32
      %dma_start3A_28 = arith.constant 0 : i32
      %dma_start3A_29 = tpu.memref_slice %arg2[%dma_start3A_27, %dma_start3A_28] : memref<30000x128xf32, #tpu.memory_space<hbm>> -> memref<30000x128xf32, #tpu.memory_space<hbm>>
      tpu.enqueue_indirect_dma source(%dma_start3A_29 : memref<30000x128xf32, #tpu.memory_space<hbm>>) target(%arg7 : memref<80x128xf32, #tpu.memory_space<vmem>>) offsets(%dma_start3A_26 : memref<80xi32, #tpu.memory_space<vmem>>) semaphore(%arg9 : memref<!tpu.dma_semaphore, #tpu.memory_space<semaphore_mem>>)
      %mul3A_30 = arith.constant 80 : i32
      %mul3A_31 = arith.muli %mul3A_16, %mul3A_30 : i32
      %add3A_32 = arith.addi %mul3A_2, %mul3A_31 : i32
      "tpu.region"() ({
        %run_scoped3A = tpu.sem_alloc : memref<!tpu.dma_semaphore, #tpu.memory_space<semaphore_mem>>
        %dma_start3A_46 = arith.constant 0 : i32
        %dma_start3A_47 = tpu.memref_slice %arg4[%add3A_32, %dma_start3A_46] : memref<51200x128xf32, #tpu.memory_space<hbm>> -> memref<80x128xf32, #tpu.memory_space<hbm>>
        %dma_start3A_48 = arith.constant 0 : i32
        %dma_start3A_49 = tpu.memref_slice %arg4[%add3A_32, %dma_start3A_48] : memref<51200x128xf32, #tpu.memory_space<hbm>> -> memref<80x128xf32, #tpu.memory_space<hbm>>
        tpu.enqueue_dma source(%arg6 : memref<80x128xf32, #tpu.memory_space<vmem>>) target(%dma_start3A_49 : memref<80x128xf32, #tpu.memory_space<hbm>>) target_semaphore(%run_scoped3A : memref<!tpu.dma_semaphore, #tpu.memory_space<semaphore_mem>>)
        %dma_wait3A_50 = arith.constant 0 : i32
        %dma_wait3A_51 = tpu.memref_slice %arg4[%add3A_32, %dma_wait3A_50] : memref<51200x128xf32, #tpu.memory_space<hbm>> -> memref<80x128xf32, #tpu.memory_space<hbm>>
        %dma_wait3A_52 = arith.constant 0 : i32
        %dma_wait3A_53 = tpu.memref_slice %arg4[%add3A_32, %dma_wait3A_52] : memref<51200x128xf32, #tpu.memory_space<hbm>> -> memref<80x128xf32, #tpu.memory_space<hbm>>
        tpu.wait_dma2 semaphore(%run_scoped3A : memref<!tpu.dma_semaphore, #tpu.memory_space<semaphore_mem>>) src(%arg6 : memref<80x128xf32, #tpu.memory_space<vmem>>) dst(%dma_wait3A_53 : memref<80x128xf32, #tpu.memory_space<hbm>>)
        tpu.yield
      }) : () -> ()
      %dma_wait3A_33 = arith.constant 0 : i32
      %dma_wait3A_34 = tpu.memref_slice %arg5[%add3A_18, %dma_wait3A_33] : memref<20x80xi32, #tpu.memory_space<vmem>> -> memref<1x80xi32, #tpu.memory_space<vmem>>
      %dma_wait3A_35 = tpu.memref_squeeze %dma_wait3A_34 : memref<1x80xi32, #tpu.memory_space<vmem>> -> memref<80xi32, #tpu.memory_space<vmem>>
      %dma_wait3A_36 = arith.constant 0 : i32
      %dma_wait3A_37 = arith.constant 0 : i32
      %dma_wait3A_38 = tpu.memref_slice %arg2[%dma_wait3A_36, %dma_wait3A_37] : memref<30000x128xf32, #tpu.memory_space<hbm>> -> memref<30000x128xf32, #tpu.memory_space<hbm>>
      tpu.wait_indirect_dma semaphore(%arg9 : memref<!tpu.dma_semaphore, #tpu.memory_space<semaphore_mem>>) src(%dma_wait3A_38 : memref<30000x128xf32, #tpu.memory_space<hbm>>) dst(%arg7 : memref<80x128xf32, #tpu.memory_space<vmem>>)
      %add3A_39 = arith.constant 1 : i32
      %add3A_40 = arith.addi %add3A_18, %add3A_39 : i32
      %lt3A = arith.constant 20 : i32
      %lt3A_41 = arith.cmpi slt, %add3A_40, %lt3A : i32
      %convert_element_type3A = arith.extui %lt3A_41 : i1 to i32
      %cond3A = arith.constant 0 : i32
      %cond3A_42 = arith.cmpi ne, %convert_element_type3A, %cond3A : i32
      scf.if %cond3A_42 {
        %add3A_46 = arith.constant 1 : i32
        %add3A_47 = arith.addi %add3A_18, %add3A_46 : i32
        %dma_start3A_48 = arith.constant 0 : i32
        %dma_start3A_49 = tpu.memref_slice %arg5[%add3A_47, %dma_start3A_48] : memref<20x80xi32, #tpu.memory_space<vmem>> -> memref<1x80xi32, #tpu.memory_space<vmem>>
        %dma_start3A_50 = tpu.memref_squeeze %dma_start3A_49 : memref<1x80xi32, #tpu.memory_space<vmem>> -> memref<80xi32, #tpu.memory_space<vmem>>
        %dma_start3A_51 = arith.constant 0 : i32
        %dma_start3A_52 = arith.constant 0 : i32
        %dma_start3A_53 = tpu.memref_slice %arg2[%dma_start3A_51, %dma_start3A_52] : memref<30000x128xf32, #tpu.memory_space<hbm>> -> memref<30000x128xf32, #tpu.memory_space<hbm>>
        tpu.enqueue_indirect_dma source(%dma_start3A_53 : memref<30000x128xf32, #tpu.memory_space<hbm>>) target(%arg6 : memref<80x128xf32, #tpu.memory_space<vmem>>) offsets(%dma_start3A_50 : memref<80xi32, #tpu.memory_space<vmem>>) semaphore(%arg8 : memref<!tpu.dma_semaphore, #tpu.memory_space<semaphore_mem>>)
      } else {
      }
      %mul3A_43 = arith.constant 80 : i32
      %mul3A_44 = arith.muli %add3A_18, %mul3A_43 : i32
      %add3A_45 = arith.addi %mul3A_2, %mul3A_44 : i32
      "tpu.region"() ({
        %run_scoped3A = tpu.sem_alloc : memref<!tpu.dma_semaphore, #tpu.memory_space<semaphore_mem>>
        %dma_start3A_46 = arith.constant 0 : i32
        %dma_start3A_47 = tpu.memref_slice %arg4[%add3A_45, %dma_start3A_46] : memref<51200x128xf32, #tpu.memory_space<hbm>> -> memref<80x128xf32, #tpu.memory_space<hbm>>
        %dma_start3A_48 = arith.constant 0 : i32
        %dma_start3A_49 = tpu.memref_slice %arg4[%add3A_45, %dma_start3A_48] : memref<51200x128xf32, #tpu.memory_space<hbm>> -> memref<80x128xf32, #tpu.memory_space<hbm>>
        tpu.enqueue_dma source(%arg7 : memref<80x128xf32, #tpu.memory_space<vmem>>) target(%dma_start3A_49 : memref<80x128xf32, #tpu.memory_space<hbm>>) target_semaphore(%run_scoped3A : memref<!tpu.dma_semaphore, #tpu.memory_space<semaphore_mem>>)
        %dma_wait3A_50 = arith.constant 0 : i32
        %dma_wait3A_51 = tpu.memref_slice %arg4[%add3A_45, %dma_wait3A_50] : memref<51200x128xf32, #tpu.memory_space<hbm>> -> memref<80x128xf32, #tpu.memory_space<hbm>>
        %dma_wait3A_52 = arith.constant 0 : i32
        %dma_wait3A_53 = tpu.memref_slice %arg4[%add3A_45, %dma_wait3A_52] : memref<51200x128xf32, #tpu.memory_space<hbm>> -> memref<80x128xf32, #tpu.memory_space<hbm>>
        tpu.wait_dma2 semaphore(%run_scoped3A : memref<!tpu.dma_semaphore, #tpu.memory_space<semaphore_mem>>) src(%arg7 : memref<80x128xf32, #tpu.memory_space<vmem>>) dst(%dma_wait3A_53 : memref<80x128xf32, #tpu.memory_space<hbm>>)
        tpu.yield
      }) : () -> ()
    }
    %scan3A_13 = arith.constant 10 : i32
    return
  }
}

module attributes {stable_mosaic.version = 14 : i64} {
  func.func @_seg_scan_body(%arg0: i32, %arg1: memref<10x1024x128xf32, #tpu.memory_space<vmem>>, %arg2: memref<1024x128xbf16, #tpu.memory_space<vmem>>, %arg3: memref<128x384xbf16, #tpu.memory_space<vmem>>, %arg4: memref<128x384xbf16, #tpu.memory_space<vmem>>, %arg5: memref<1x128xbf16, #tpu.memory_space<vmem>>, %arg6: memref<1024x128xbf16, #tpu.memory_space<vmem>>, %arg7: memref<1024x128xbf16, #tpu.memory_space<vmem>>) attributes {dimension_semantics = [#tpu.dimension_semantics<arbitrary>], iteration_bounds = array<i64: 5>, scalar_prefetch = 0 : i64, scratch_operands = 1 : i64, tpu.core_type = #tpu.core_type<tc>, window_params = [{transform_indices = @transform_0, window_bounds = array<i64: 10, 1024, 128>}, {pipeline_mode = #tpu.pipeline_mode<synchronous>, transform_indices = @transform_1, window_bounds = array<i64: 1024, 128>}, {pipeline_mode = #tpu.pipeline_mode<synchronous>, transform_indices = @transform_2, window_bounds = array<i64: 128, 384>}, {pipeline_mode = #tpu.pipeline_mode<synchronous>, transform_indices = @transform_3, window_bounds = array<i64: 128, 384>}, {pipeline_mode = #tpu.pipeline_mode<synchronous>, transform_indices = @transform_4, window_bounds = array<i64: 1, 128>}, {pipeline_mode = #tpu.pipeline_mode<synchronous>, transform_indices = @transform_5, window_bounds = array<i64: 1024, 128>}]} {
    %eq3A = arith.constant 0 : i32
    %eq3A_0 = arith.cmpi eq, %arg0, %eq3A : i32
    %convert_element_type3A = arith.extui %eq3A_0 : i1 to i32
    %cond3A = arith.constant 0 : i32
    %cond3A_1 = arith.cmpi ne, %convert_element_type3A, %cond3A : i32
    scf.if %cond3A_1 {
      %get3A_458 = arith.constant 0 : index
      %get3A_459 = arith.constant 0 : index
      %get3A_460 = vector.load %arg2[%get3A_458, %get3A_459] : memref<1024x128xbf16, #tpu.memory_space<vmem>>, vector<1024x128xbf16>
      %swap3A = arith.constant 0 : index
      %swap3A_461 = arith.constant 0 : index
      %swap3A_462 = vector.load %arg7[%swap3A, %swap3A_461] : memref<1024x128xbf16, #tpu.memory_space<vmem>>, vector<1024x128xbf16>
      tpu.vector_store %arg7[%swap3A, %swap3A_461], %get3A_460 {strides = array<i32>} : memref<1024x128xbf16, #tpu.memory_space<vmem>>, vector<1024x128xbf16>,
    } else {
    }
    %get3A = arith.constant 0 : index
    %get3A_2 = arith.constant 0 : index
    %get3A_3 = arith.constant 0 : index
    %get3A_4 = vector.load %arg1[%get3A, %get3A_2, %get3A_3] : memref<10x1024x128xf32, #tpu.memory_space<vmem>>, vector<10x1024x128xf32>
    %reshape3A = vector.shape_cast %get3A_4 : vector<10x1024x128xf32> to vector<10240x128xf32>
    %convert_element_type3A_5 = arith.truncf %reshape3A : vector<10240x128xf32> to vector<10240x128xbf16>
    %get3A_6 = arith.constant 0 : index
    %get3A_7 = arith.constant 0 : index
    %get3A_8 = vector.load %arg3[%get3A_6, %get3A_7] : memref<128x384xbf16, #tpu.memory_space<vmem>>, vector<128x384xbf16>
    %dot_general3A = arith.constant dense<0.000000e+00> : vector<10240x384xf32>
    %dot_general3A_9 = tpu.matmul %convert_element_type3A_5, %get3A_8, %dot_general3A {dimension_numbers = #tpu.dot_dimension_numbers<[1], [0], [0], [1], [0, 0, 1, 1], [], []>, transpose_lhs_hint = false} : vector<10240x128xbf16>, vector<128x384xbf16>, vector<10240x384xf32> -> vector<10240x384xf32>
    %convert_element_type3A_10 = arith.truncf %dot_general3A_9 : vector<10240x384xf32> to vector<10240x384xbf16>
    %get3A_11 = arith.constant 0 : index
    %get3A_12 = arith.constant 0 : index
    %get3A_13 = vector.load %arg7[%get3A_11, %get3A_12] : memref<1024x128xbf16, #tpu.memory_space<vmem>>, vector<1024x128xbf16>
    %slice3A = vector.extract_strided_slice %convert_element_type3A_10 {offsets = [0, 0], sizes = [1024, 384], strides = [1, 1]} : vector<10240x384xbf16> to vector<1024x384xbf16>
    %get3A_14 = arith.constant 0 : index
    %get3A_15 = arith.constant 0 : index
    %get3A_16 = vector.load %arg4[%get3A_14, %get3A_15] : memref<128x384xbf16, #tpu.memory_space<vmem>>, vector<128x384xbf16>
    %dot_general3A_17 = arith.constant dense<0.000000e+00> : vector<1024x384xf32>
    %dot_general3A_18 = tpu.matmul %get3A_13, %get3A_16, %dot_general3A_17 {dimension_numbers = #tpu.dot_dimension_numbers<[1], [0], [0], [1], [0, 0, 1, 1], [], []>, transpose_lhs_hint = false} : vector<1024x128xbf16>, vector<128x384xbf16>, vector<1024x384xf32> -> vector<1024x384xf32>
    %convert_element_type3A_19 = arith.truncf %dot_general3A_18 : vector<1024x384xf32> to vector<1024x384xbf16>
    %slice3A_20 = vector.extract_strided_slice %slice3A {offsets = [0, 0], sizes = [1024, 128], strides = [1, 1]} : vector<1024x384xbf16> to vector<1024x128xbf16>
    %slice3A_21 = vector.extract_strided_slice %convert_element_type3A_19 {offsets = [0, 0], sizes = [1024, 128], strides = [1, 1]} : vector<1024x384xbf16> to vector<1024x128xbf16>
    %add3A = arith.addf %slice3A_20, %slice3A_21 : vector<1024x128xbf16>
    %mul3A = arith.constant 5.000000e-01 : bf16
    %mul3A_22 = vector.broadcast %mul3A : bf16 to vector<1024x128xbf16>
    %mul3A_23 = arith.mulf %mul3A_22, %add3A : vector<1024x128xbf16>
    %tanh3A = math.tanh %mul3A_23 : vector<1024x128xbf16>
    %slice3A_24 = vector.extract_strided_slice %slice3A {offsets = [0, 128], sizes = [1024, 128], strides = [1, 1]} : vector<1024x384xbf16> to vector<1024x128xbf16>
    %slice3A_25 = vector.extract_strided_slice %convert_element_type3A_19 {offsets = [0, 128], sizes = [1024, 128], strides = [1, 1]} : vector<1024x384xbf16> to vector<1024x128xbf16>
    %add3A_26 = arith.addf %slice3A_24, %slice3A_25 : vector<1024x128xbf16>
    %mul3A_27 = arith.constant 5.000000e-01 : bf16
    %mul3A_28 = vector.broadcast %mul3A_27 : bf16 to vector<1024x128xbf16>
    %mul3A_29 = arith.mulf %mul3A_28, %add3A_26 : vector<1024x128xbf16>
    %tanh3A_30 = math.tanh %mul3A_29 : vector<1024x128xbf16>
    %slice3A_31 = vector.extract_strided_slice %convert_element_type3A_19 {offsets = [0, 256], sizes = [1024, 128], strides = [1, 1]} : vector<1024x384xbf16> to vector<1024x128xbf16>
    %get3A_32 = arith.constant 0 : index
    %get3A_33 = arith.constant 0 : index
    %get3A_34 = vector.load %arg5[%get3A_32, %get3A_33] : memref<1x128xbf16, #tpu.memory_space<vmem>>, vector<1x128xbf16>
    %add3A_35 = vector.broadcast %get3A_34 : vector<1x128xbf16> to vector<1024x128xbf16>
    %add3A_36 = arith.addf %slice3A_31, %add3A_35 : vector<1024x128xbf16>
    %slice3A_37 = vector.extract_strided_slice %slice3A {offsets = [0, 256], sizes = [1024, 128], strides = [1, 1]} : vector<1024x384xbf16> to vector<1024x128xbf16>
    %mul3A_38 = arith.constant 5.000000e-01 : bf16
    %mul3A_39 = vector.broadcast %mul3A_38 : bf16 to vector<1024x128xbf16>
    %mul3A_40 = arith.mulf %mul3A_39, %tanh3A : vector<1024x128xbf16>
    %add3A_41 = arith.constant 5.000000e-01 : bf16
    %add3A_42 = vector.broadcast %add3A_41 : bf16 to vector<1024x128xbf16>
    %add3A_43 = arith.addf %mul3A_40, %add3A_42 : vector<1024x128xbf16>
    %mul3A_44 = arith.mulf %add3A_43, %add3A_36 : vector<1024x128xbf16>
    %add3A_45 = arith.addf %slice3A_37, %mul3A_44 : vector<1024x128xbf16>
    %tanh3A_46 = math.tanh %add3A_45 : vector<1024x128xbf16>
    %add3A_47 = arith.addf %tanh3A_46, %get3A_13 : vector<1024x128xbf16>
    %sub3A = arith.subf %get3A_13, %tanh3A_46 : vector<1024x128xbf16>
    %mul3A_48 = arith.mulf %tanh3A_30, %sub3A : vector<1024x128xbf16>
    %add3A_49 = arith.addf %add3A_47, %mul3A_48 : vector<1024x128xbf16>
    %mul3A_50 = arith.constant 5.000000e-01 : bf16
    %mul3A_51 = vector.broadcast %mul3A_50 : bf16 to vector<1024x128xbf16>
    %mul3A_52 = arith.mulf %mul3A_51, %add3A_49 : vector<1024x128xbf16>
    %slice3A_53 = vector.extract_strided_slice %convert_element_type3A_10 {offsets = [1024, 0], sizes = [1024, 384], strides = [1, 1]} : vector<10240x384xbf16> to vector<1024x384xbf16>
    %get3A_54 = arith.constant 0 : index
    %get3A_55 = arith.constant 0 : index
    %get3A_56 = vector.load %arg4[%get3A_54, %get3A_55] : memref<128x384xbf16, #tpu.memory_space<vmem>>, vector<128x384xbf16>
    %dot_general3A_57 = arith.constant dense<0.000000e+00> : vector<1024x384xf32>
    %dot_general3A_58 = tpu.matmul %mul3A_52, %get3A_56, %dot_general3A_57 {dimension_numbers = #tpu.dot_dimension_numbers<[1], [0], [0], [1], [0, 0, 1, 1], [], []>, transpose_lhs_hint = false} : vector<1024x128xbf16>, vector<128x384xbf16>, vector<1024x384xf32> -> vector<1024x384xf32>
    %convert_element_type3A_59 = arith.truncf %dot_general3A_58 : vector<1024x384xf32> to vector<1024x384xbf16>
    %slice3A_60 = vector.extract_strided_slice %slice3A_53 {offsets = [0, 0], sizes = [1024, 128], strides = [1, 1]} : vector<1024x384xbf16> to vector<1024x128xbf16>
    %slice3A_61 = vector.extract_strided_slice %convert_element_type3A_59 {offsets = [0, 0], sizes = [1024, 128], strides = [1, 1]} : vector<1024x384xbf16> to vector<1024x128xbf16>
    %add3A_62 = arith.addf %slice3A_60, %slice3A_61 : vector<1024x128xbf16>
    %mul3A_63 = arith.constant 5.000000e-01 : bf16
    %mul3A_64 = vector.broadcast %mul3A_63 : bf16 to vector<1024x128xbf16>
    %mul3A_65 = arith.mulf %mul3A_64, %add3A_62 : vector<1024x128xbf16>
    %tanh3A_66 = math.tanh %mul3A_65 : vector<1024x128xbf16>
    %slice3A_67 = vector.extract_strided_slice %slice3A_53 {offsets = [0, 128], sizes = [1024, 128], strides = [1, 1]} : vector<1024x384xbf16> to vector<1024x128xbf16>
    %slice3A_68 = vector.extract_strided_slice %convert_element_type3A_59 {offsets = [0, 128], sizes = [1024, 128], strides = [1, 1]} : vector<1024x384xbf16> to vector<1024x128xbf16>
    %add3A_69 = arith.addf %slice3A_67, %slice3A_68 : vector<1024x128xbf16>
    %mul3A_70 = arith.constant 5.000000e-01 : bf16
    %mul3A_71 = vector.broadcast %mul3A_70 : bf16 to vector<1024x128xbf16>
    %mul3A_72 = arith.mulf %mul3A_71, %add3A_69 : vector<1024x128xbf16>
    %tanh3A_73 = math.tanh %mul3A_72 : vector<1024x128xbf16>
    %slice3A_74 = vector.extract_strided_slice %convert_element_type3A_59 {offsets = [0, 256], sizes = [1024, 128], strides = [1, 1]} : vector<1024x384xbf16> to vector<1024x128xbf16>
    %get3A_75 = arith.constant 0 : index
    %get3A_76 = arith.constant 0 : index
    %get3A_77 = vector.load %arg5[%get3A_75, %get3A_76] : memref<1x128xbf16, #tpu.memory_space<vmem>>, vector<1x128xbf16>
    %add3A_78 = vector.broadcast %get3A_77 : vector<1x128xbf16> to vector<1024x128xbf16>
    %add3A_79 = arith.addf %slice3A_74, %add3A_78 : vector<1024x128xbf16>
    %slice3A_80 = vector.extract_strided_slice %slice3A_53 {offsets = [0, 256], sizes = [1024, 128], strides = [1, 1]} : vector<1024x384xbf16> to vector<1024x128xbf16>
    %mul3A_81 = arith.constant 5.000000e-01 : bf16
    %mul3A_82 = vector.broadcast %mul3A_81 : bf16 to vector<1024x128xbf16>
    %mul3A_83 = arith.mulf %mul3A_82, %tanh3A_66 : vector<1024x128xbf16>
    %add3A_84 = arith.constant 5.000000e-01 : bf16
    %add3A_85 = vector.broadcast %add3A_84 : bf16 to vector<1024x128xbf16>
    %add3A_86 = arith.addf %mul3A_83, %add3A_85 : vector<1024x128xbf16>
    %mul3A_87 = arith.mulf %add3A_86, %add3A_79 : vector<1024x128xbf16>
    %add3A_88 = arith.addf %slice3A_80, %mul3A_87 : vector<1024x128xbf16>
    %tanh3A_89 = math.tanh %add3A_88 : vector<1024x128xbf16>
    %add3A_90 = arith.addf %tanh3A_89, %mul3A_52 : vector<1024x128xbf16>
    %sub3A_91 = arith.subf %mul3A_52, %tanh3A_89 : vector<1024x128xbf16>
    %mul3A_92 = arith.mulf %tanh3A_73, %sub3A_91 : vector<1024x128xbf16>
    %add3A_93 = arith.addf %add3A_90, %mul3A_92 : vector<1024x128xbf16>
    %mul3A_94 = arith.constant 5.000000e-01 : bf16
    %mul3A_95 = vector.broadcast %mul3A_94 : bf16 to vector<1024x128xbf16>
    %mul3A_96 = arith.mulf %mul3A_95, %add3A_93 : vector<1024x128xbf16>
    %slice3A_97 = vector.extract_strided_slice %convert_element_type3A_10 {offsets = [2048, 0], sizes = [1024, 384], strides = [1, 1]} : vector<10240x384xbf16> to vector<1024x384xbf16>
    %get3A_98 = arith.constant 0 : index
    %get3A_99 = arith.constant 0 : index
    %get3A_100 = vector.load %arg4[%get3A_98, %get3A_99] : memref<128x384xbf16, #tpu.memory_space<vmem>>, vector<128x384xbf16>
    %dot_general3A_101 = arith.constant dense<0.000000e+00> : vector<1024x384xf32>
    %dot_general3A_102 = tpu.matmul %mul3A_96, %get3A_100, %dot_general3A_101 {dimension_numbers = #tpu.dot_dimension_numbers<[1], [0], [0], [1], [0, 0, 1, 1], [], []>, transpose_lhs_hint = false} : vector<1024x128xbf16>, vector<128x384xbf16>, vector<1024x384xf32> -> vector<1024x384xf32>
    %convert_element_type3A_103 = arith.truncf %dot_general3A_102 : vector<1024x384xf32> to vector<1024x384xbf16>
    %slice3A_104 = vector.extract_strided_slice %slice3A_97 {offsets = [0, 0], sizes = [1024, 128], strides = [1, 1]} : vector<1024x384xbf16> to vector<1024x128xbf16>
    %slice3A_105 = vector.extract_strided_slice %convert_element_type3A_103 {offsets = [0, 0], sizes = [1024, 128], strides = [1, 1]} : vector<1024x384xbf16> to vector<1024x128xbf16>
    %add3A_106 = arith.addf %slice3A_104, %slice3A_105 : vector<1024x128xbf16>
    %mul3A_107 = arith.constant 5.000000e-01 : bf16
    %mul3A_108 = vector.broadcast %mul3A_107 : bf16 to vector<1024x128xbf16>
    %mul3A_109 = arith.mulf %mul3A_108, %add3A_106 : vector<1024x128xbf16>
    %tanh3A_110 = math.tanh %mul3A_109 : vector<1024x128xbf16>
    %slice3A_111 = vector.extract_strided_slice %slice3A_97 {offsets = [0, 128], sizes = [1024, 128], strides = [1, 1]} : vector<1024x384xbf16> to vector<1024x128xbf16>
    %slice3A_112 = vector.extract_strided_slice %convert_element_type3A_103 {offsets = [0, 128], sizes = [1024, 128], strides = [1, 1]} : vector<1024x384xbf16> to vector<1024x128xbf16>
    %add3A_113 = arith.addf %slice3A_111, %slice3A_112 : vector<1024x128xbf16>
    %mul3A_114 = arith.constant 5.000000e-01 : bf16
    %mul3A_115 = vector.broadcast %mul3A_114 : bf16 to vector<1024x128xbf16>
    %mul3A_116 = arith.mulf %mul3A_115, %add3A_113 : vector<1024x128xbf16>
    %tanh3A_117 = math.tanh %mul3A_116 : vector<1024x128xbf16>
    %slice3A_118 = vector.extract_strided_slice %convert_element_type3A_103 {offsets = [0, 256], sizes = [1024, 128], strides = [1, 1]} : vector<1024x384xbf16> to vector<1024x128xbf16>
    %get3A_119 = arith.constant 0 : index
    %get3A_120 = arith.constant 0 : index
    %get3A_121 = vector.load %arg5[%get3A_119, %get3A_120] : memref<1x128xbf16, #tpu.memory_space<vmem>>, vector<1x128xbf16>
    %add3A_122 = vector.broadcast %get3A_121 : vector<1x128xbf16> to vector<1024x128xbf16>
    %add3A_123 = arith.addf %slice3A_118, %add3A_122 : vector<1024x128xbf16>
    %slice3A_124 = vector.extract_strided_slice %slice3A_97 {offsets = [0, 256], sizes = [1024, 128], strides = [1, 1]} : vector<1024x384xbf16> to vector<1024x128xbf16>
    %mul3A_125 = arith.constant 5.000000e-01 : bf16
    %mul3A_126 = vector.broadcast %mul3A_125 : bf16 to vector<1024x128xbf16>
    %mul3A_127 = arith.mulf %mul3A_126, %tanh3A_110 : vector<1024x128xbf16>
    %add3A_128 = arith.constant 5.000000e-01 : bf16
    %add3A_129 = vector.broadcast %add3A_128 : bf16 to vector<1024x128xbf16>
    %add3A_130 = arith.addf %mul3A_127, %add3A_129 : vector<1024x128xbf16>
    %mul3A_131 = arith.mulf %add3A_130, %add3A_123 : vector<1024x128xbf16>
    %add3A_132 = arith.addf %slice3A_124, %mul3A_131 : vector<1024x128xbf16>
    %tanh3A_133 = math.tanh %add3A_132 : vector<1024x128xbf16>
    %add3A_134 = arith.addf %tanh3A_133, %mul3A_96 : vector<1024x128xbf16>
    %sub3A_135 = arith.subf %mul3A_96, %tanh3A_133 : vector<1024x128xbf16>
    %mul3A_136 = arith.mulf %tanh3A_117, %sub3A_135 : vector<1024x128xbf16>
    %add3A_137 = arith.addf %add3A_134, %mul3A_136 : vector<1024x128xbf16>
    %mul3A_138 = arith.constant 5.000000e-01 : bf16
    %mul3A_139 = vector.broadcast %mul3A_138 : bf16 to vector<1024x128xbf16>
    %mul3A_140 = arith.mulf %mul3A_139, %add3A_137 : vector<1024x128xbf16>
    %slice3A_141 = vector.extract_strided_slice %convert_element_type3A_10 {offsets = [3072, 0], sizes = [1024, 384], strides = [1, 1]} : vector<10240x384xbf16> to vector<1024x384xbf16>
    %get3A_142 = arith.constant 0 : index
    %get3A_143 = arith.constant 0 : index
    %get3A_144 = vector.load %arg4[%get3A_142, %get3A_143] : memref<128x384xbf16, #tpu.memory_space<vmem>>, vector<128x384xbf16>
    %dot_general3A_145 = arith.constant dense<0.000000e+00> : vector<1024x384xf32>
    %dot_general3A_146 = tpu.matmul %mul3A_140, %get3A_144, %dot_general3A_145 {dimension_numbers = #tpu.dot_dimension_numbers<[1], [0], [0], [1], [0, 0, 1, 1], [], []>, transpose_lhs_hint = false} : vector<1024x128xbf16>, vector<128x384xbf16>, vector<1024x384xf32> -> vector<1024x384xf32>
    %convert_element_type3A_147 = arith.truncf %dot_general3A_146 : vector<1024x384xf32> to vector<1024x384xbf16>
    %slice3A_148 = vector.extract_strided_slice %slice3A_141 {offsets = [0, 0], sizes = [1024, 128], strides = [1, 1]} : vector<1024x384xbf16> to vector<1024x128xbf16>
    %slice3A_149 = vector.extract_strided_slice %convert_element_type3A_147 {offsets = [0, 0], sizes = [1024, 128], strides = [1, 1]} : vector<1024x384xbf16> to vector<1024x128xbf16>
    %add3A_150 = arith.addf %slice3A_148, %slice3A_149 : vector<1024x128xbf16>
    %mul3A_151 = arith.constant 5.000000e-01 : bf16
    %mul3A_152 = vector.broadcast %mul3A_151 : bf16 to vector<1024x128xbf16>
    %mul3A_153 = arith.mulf %mul3A_152, %add3A_150 : vector<1024x128xbf16>
    %tanh3A_154 = math.tanh %mul3A_153 : vector<1024x128xbf16>
    %slice3A_155 = vector.extract_strided_slice %slice3A_141 {offsets = [0, 128], sizes = [1024, 128], strides = [1, 1]} : vector<1024x384xbf16> to vector<1024x128xbf16>
    %slice3A_156 = vector.extract_strided_slice %convert_element_type3A_147 {offsets = [0, 128], sizes = [1024, 128], strides = [1, 1]} : vector<1024x384xbf16> to vector<1024x128xbf16>
    %add3A_157 = arith.addf %slice3A_155, %slice3A_156 : vector<1024x128xbf16>
    %mul3A_158 = arith.constant 5.000000e-01 : bf16
    %mul3A_159 = vector.broadcast %mul3A_158 : bf16 to vector<1024x128xbf16>
    %mul3A_160 = arith.mulf %mul3A_159, %add3A_157 : vector<1024x128xbf16>
    %tanh3A_161 = math.tanh %mul3A_160 : vector<1024x128xbf16>
    %slice3A_162 = vector.extract_strided_slice %convert_element_type3A_147 {offsets = [0, 256], sizes = [1024, 128], strides = [1, 1]} : vector<1024x384xbf16> to vector<1024x128xbf16>
    %get3A_163 = arith.constant 0 : index
    %get3A_164 = arith.constant 0 : index
    %get3A_165 = vector.load %arg5[%get3A_163, %get3A_164] : memref<1x128xbf16, #tpu.memory_space<vmem>>, vector<1x128xbf16>
    %add3A_166 = vector.broadcast %get3A_165 : vector<1x128xbf16> to vector<1024x128xbf16>
    %add3A_167 = arith.addf %slice3A_162, %add3A_166 : vector<1024x128xbf16>
    %slice3A_168 = vector.extract_strided_slice %slice3A_141 {offsets = [0, 256], sizes = [1024, 128], strides = [1, 1]} : vector<1024x384xbf16> to vector<1024x128xbf16>
    %mul3A_169 = arith.constant 5.000000e-01 : bf16
    %mul3A_170 = vector.broadcast %mul3A_169 : bf16 to vector<1024x128xbf16>
    %mul3A_171 = arith.mulf %mul3A_170, %tanh3A_154 : vector<1024x128xbf16>
    %add3A_172 = arith.constant 5.000000e-01 : bf16
    %add3A_173 = vector.broadcast %add3A_172 : bf16 to vector<1024x128xbf16>
    %add3A_174 = arith.addf %mul3A_171, %add3A_173 : vector<1024x128xbf16>
    %mul3A_175 = arith.mulf %add3A_174, %add3A_167 : vector<1024x128xbf16>
    %add3A_176 = arith.addf %slice3A_168, %mul3A_175 : vector<1024x128xbf16>
    %tanh3A_177 = math.tanh %add3A_176 : vector<1024x128xbf16>
    %add3A_178 = arith.addf %tanh3A_177, %mul3A_140 : vector<1024x128xbf16>
    %sub3A_179 = arith.subf %mul3A_140, %tanh3A_177 : vector<1024x128xbf16>
    %mul3A_180 = arith.mulf %tanh3A_161, %sub3A_179 : vector<1024x128xbf16>
    %add3A_181 = arith.addf %add3A_178, %mul3A_180 : vector<1024x128xbf16>
    %mul3A_182 = arith.constant 5.000000e-01 : bf16
    %mul3A_183 = vector.broadcast %mul3A_182 : bf16 to vector<1024x128xbf16>
    %mul3A_184 = arith.mulf %mul3A_183, %add3A_181 : vector<1024x128xbf16>
    %slice3A_185 = vector.extract_strided_slice %convert_element_type3A_10 {offsets = [4096, 0], sizes = [1024, 384], strides = [1, 1]} : vector<10240x384xbf16> to vector<1024x384xbf16>
    %get3A_186 = arith.constant 0 : index
    %get3A_187 = arith.constant 0 : index
    %get3A_188 = vector.load %arg4[%get3A_186, %get3A_187] : memref<128x384xbf16, #tpu.memory_space<vmem>>, vector<128x384xbf16>
    %dot_general3A_189 = arith.constant dense<0.000000e+00> : vector<1024x384xf32>
    %dot_general3A_190 = tpu.matmul %mul3A_184, %get3A_188, %dot_general3A_189 {dimension_numbers = #tpu.dot_dimension_numbers<[1], [0], [0], [1], [0, 0, 1, 1], [], []>, transpose_lhs_hint = false} : vector<1024x128xbf16>, vector<128x384xbf16>, vector<1024x384xf32> -> vector<1024x384xf32>
    %convert_element_type3A_191 = arith.truncf %dot_general3A_190 : vector<1024x384xf32> to vector<1024x384xbf16>
    %slice3A_192 = vector.extract_strided_slice %slice3A_185 {offsets = [0, 0], sizes = [1024, 128], strides = [1, 1]} : vector<1024x384xbf16> to vector<1024x128xbf16>
    %slice3A_193 = vector.extract_strided_slice %convert_element_type3A_191 {offsets = [0, 0], sizes = [1024, 128], strides = [1, 1]} : vector<1024x384xbf16> to vector<1024x128xbf16>
    %add3A_194 = arith.addf %slice3A_192, %slice3A_193 : vector<1024x128xbf16>
    %mul3A_195 = arith.constant 5.000000e-01 : bf16
    %mul3A_196 = vector.broadcast %mul3A_195 : bf16 to vector<1024x128xbf16>
    %mul3A_197 = arith.mulf %mul3A_196, %add3A_194 : vector<1024x128xbf16>
    %tanh3A_198 = math.tanh %mul3A_197 : vector<1024x128xbf16>
    %slice3A_199 = vector.extract_strided_slice %slice3A_185 {offsets = [0, 128], sizes = [1024, 128], strides = [1, 1]} : vector<1024x384xbf16> to vector<1024x128xbf16>
    %slice3A_200 = vector.extract_strided_slice %convert_element_type3A_191 {offsets = [0, 128], sizes = [1024, 128], strides = [1, 1]} : vector<1024x384xbf16> to vector<1024x128xbf16>
    %add3A_201 = arith.addf %slice3A_199, %slice3A_200 : vector<1024x128xbf16>
    %mul3A_202 = arith.constant 5.000000e-01 : bf16
    %mul3A_203 = vector.broadcast %mul3A_202 : bf16 to vector<1024x128xbf16>
    %mul3A_204 = arith.mulf %mul3A_203, %add3A_201 : vector<1024x128xbf16>
    %tanh3A_205 = math.tanh %mul3A_204 : vector<1024x128xbf16>
    %slice3A_206 = vector.extract_strided_slice %convert_element_type3A_191 {offsets = [0, 256], sizes = [1024, 128], strides = [1, 1]} : vector<1024x384xbf16> to vector<1024x128xbf16>
    %get3A_207 = arith.constant 0 : index
    %get3A_208 = arith.constant 0 : index
    %get3A_209 = vector.load %arg5[%get3A_207, %get3A_208] : memref<1x128xbf16, #tpu.memory_space<vmem>>, vector<1x128xbf16>
    %add3A_210 = vector.broadcast %get3A_209 : vector<1x128xbf16> to vector<1024x128xbf16>
    %add3A_211 = arith.addf %slice3A_206, %add3A_210 : vector<1024x128xbf16>
    %slice3A_212 = vector.extract_strided_slice %slice3A_185 {offsets = [0, 256], sizes = [1024, 128], strides = [1, 1]} : vector<1024x384xbf16> to vector<1024x128xbf16>
    %mul3A_213 = arith.constant 5.000000e-01 : bf16
    %mul3A_214 = vector.broadcast %mul3A_213 : bf16 to vector<1024x128xbf16>
    %mul3A_215 = arith.mulf %mul3A_214, %tanh3A_198 : vector<1024x128xbf16>
    %add3A_216 = arith.constant 5.000000e-01 : bf16
    %add3A_217 = vector.broadcast %add3A_216 : bf16 to vector<1024x128xbf16>
    %add3A_218 = arith.addf %mul3A_215, %add3A_217 : vector<1024x128xbf16>
    %mul3A_219 = arith.mulf %add3A_218, %add3A_211 : vector<1024x128xbf16>
    %add3A_220 = arith.addf %slice3A_212, %mul3A_219 : vector<1024x128xbf16>
    %tanh3A_221 = math.tanh %add3A_220 : vector<1024x128xbf16>
    %add3A_222 = arith.addf %tanh3A_221, %mul3A_184 : vector<1024x128xbf16>
    %sub3A_223 = arith.subf %mul3A_184, %tanh3A_221 : vector<1024x128xbf16>
    %mul3A_224 = arith.mulf %tanh3A_205, %sub3A_223 : vector<1024x128xbf16>
    %add3A_225 = arith.addf %add3A_222, %mul3A_224 : vector<1024x128xbf16>
    %mul3A_226 = arith.constant 5.000000e-01 : bf16
    %mul3A_227 = vector.broadcast %mul3A_226 : bf16 to vector<1024x128xbf16>
    %mul3A_228 = arith.mulf %mul3A_227, %add3A_225 : vector<1024x128xbf16>
    %slice3A_229 = vector.extract_strided_slice %convert_element_type3A_10 {offsets = [5120, 0], sizes = [1024, 384], strides = [1, 1]} : vector<10240x384xbf16> to vector<1024x384xbf16>
    %get3A_230 = arith.constant 0 : index
    %get3A_231 = arith.constant 0 : index
    %get3A_232 = vector.load %arg4[%get3A_230, %get3A_231] : memref<128x384xbf16, #tpu.memory_space<vmem>>, vector<128x384xbf16>
    %dot_general3A_233 = arith.constant dense<0.000000e+00> : vector<1024x384xf32>
    %dot_general3A_234 = tpu.matmul %mul3A_228, %get3A_232, %dot_general3A_233 {dimension_numbers = #tpu.dot_dimension_numbers<[1], [0], [0], [1], [0, 0, 1, 1], [], []>, transpose_lhs_hint = false} : vector<1024x128xbf16>, vector<128x384xbf16>, vector<1024x384xf32> -> vector<1024x384xf32>
    %convert_element_type3A_235 = arith.truncf %dot_general3A_234 : vector<1024x384xf32> to vector<1024x384xbf16>
    %slice3A_236 = vector.extract_strided_slice %slice3A_229 {offsets = [0, 0], sizes = [1024, 128], strides = [1, 1]} : vector<1024x384xbf16> to vector<1024x128xbf16>
    %slice3A_237 = vector.extract_strided_slice %convert_element_type3A_235 {offsets = [0, 0], sizes = [1024, 128], strides = [1, 1]} : vector<1024x384xbf16> to vector<1024x128xbf16>
    %add3A_238 = arith.addf %slice3A_236, %slice3A_237 : vector<1024x128xbf16>
    %mul3A_239 = arith.constant 5.000000e-01 : bf16
    %mul3A_240 = vector.broadcast %mul3A_239 : bf16 to vector<1024x128xbf16>
    %mul3A_241 = arith.mulf %mul3A_240, %add3A_238 : vector<1024x128xbf16>
    %tanh3A_242 = math.tanh %mul3A_241 : vector<1024x128xbf16>
    %slice3A_243 = vector.extract_strided_slice %slice3A_229 {offsets = [0, 128], sizes = [1024, 128], strides = [1, 1]} : vector<1024x384xbf16> to vector<1024x128xbf16>
    %slice3A_244 = vector.extract_strided_slice %convert_element_type3A_235 {offsets = [0, 128], sizes = [1024, 128], strides = [1, 1]} : vector<1024x384xbf16> to vector<1024x128xbf16>
    %add3A_245 = arith.addf %slice3A_243, %slice3A_244 : vector<1024x128xbf16>
    %mul3A_246 = arith.constant 5.000000e-01 : bf16
    %mul3A_247 = vector.broadcast %mul3A_246 : bf16 to vector<1024x128xbf16>
    %mul3A_248 = arith.mulf %mul3A_247, %add3A_245 : vector<1024x128xbf16>
    %tanh3A_249 = math.tanh %mul3A_248 : vector<1024x128xbf16>
    %slice3A_250 = vector.extract_strided_slice %convert_element_type3A_235 {offsets = [0, 256], sizes = [1024, 128], strides = [1, 1]} : vector<1024x384xbf16> to vector<1024x128xbf16>
    %get3A_251 = arith.constant 0 : index
    %get3A_252 = arith.constant 0 : index
    %get3A_253 = vector.load %arg5[%get3A_251, %get3A_252] : memref<1x128xbf16, #tpu.memory_space<vmem>>, vector<1x128xbf16>
    %add3A_254 = vector.broadcast %get3A_253 : vector<1x128xbf16> to vector<1024x128xbf16>
    %add3A_255 = arith.addf %slice3A_250, %add3A_254 : vector<1024x128xbf16>
    %slice3A_256 = vector.extract_strided_slice %slice3A_229 {offsets = [0, 256], sizes = [1024, 128], strides = [1, 1]} : vector<1024x384xbf16> to vector<1024x128xbf16>
    %mul3A_257 = arith.constant 5.000000e-01 : bf16
    %mul3A_258 = vector.broadcast %mul3A_257 : bf16 to vector<1024x128xbf16>
    %mul3A_259 = arith.mulf %mul3A_258, %tanh3A_242 : vector<1024x128xbf16>
    %add3A_260 = arith.constant 5.000000e-01 : bf16
    %add3A_261 = vector.broadcast %add3A_260 : bf16 to vector<1024x128xbf16>
    %add3A_262 = arith.addf %mul3A_259, %add3A_261 : vector<1024x128xbf16>
    %mul3A_263 = arith.mulf %add3A_262, %add3A_255 : vector<1024x128xbf16>
    %add3A_264 = arith.addf %slice3A_256, %mul3A_263 : vector<1024x128xbf16>
    %tanh3A_265 = math.tanh %add3A_264 : vector<1024x128xbf16>
    %add3A_266 = arith.addf %tanh3A_265, %mul3A_228 : vector<1024x128xbf16>
    %sub3A_267 = arith.subf %mul3A_228, %tanh3A_265 : vector<1024x128xbf16>
    %mul3A_268 = arith.mulf %tanh3A_249, %sub3A_267 : vector<1024x128xbf16>
    %add3A_269 = arith.addf %add3A_266, %mul3A_268 : vector<1024x128xbf16>
    %mul3A_270 = arith.constant 5.000000e-01 : bf16
    %mul3A_271 = vector.broadcast %mul3A_270 : bf16 to vector<1024x128xbf16>
    %mul3A_272 = arith.mulf %mul3A_271, %add3A_269 : vector<1024x128xbf16>
    %slice3A_273 = vector.extract_strided_slice %convert_element_type3A_10 {offsets = [6144, 0], sizes = [1024, 384], strides = [1, 1]} : vector<10240x384xbf16> to vector<1024x384xbf16>
    %get3A_274 = arith.constant 0 : index
    %get3A_275 = arith.constant 0 : index
    %get3A_276 = vector.load %arg4[%get3A_274, %get3A_275] : memref<128x384xbf16, #tpu.memory_space<vmem>>, vector<128x384xbf16>
    %dot_general3A_277 = arith.constant dense<0.000000e+00> : vector<1024x384xf32>
    %dot_general3A_278 = tpu.matmul %mul3A_272, %get3A_276, %dot_general3A_277 {dimension_numbers = #tpu.dot_dimension_numbers<[1], [0], [0], [1], [0, 0, 1, 1], [], []>, transpose_lhs_hint = false} : vector<1024x128xbf16>, vector<128x384xbf16>, vector<1024x384xf32> -> vector<1024x384xf32>
    %convert_element_type3A_279 = arith.truncf %dot_general3A_278 : vector<1024x384xf32> to vector<1024x384xbf16>
    %slice3A_280 = vector.extract_strided_slice %slice3A_273 {offsets = [0, 0], sizes = [1024, 128], strides = [1, 1]} : vector<1024x384xbf16> to vector<1024x128xbf16>
    %slice3A_281 = vector.extract_strided_slice %convert_element_type3A_279 {offsets = [0, 0], sizes = [1024, 128], strides = [1, 1]} : vector<1024x384xbf16> to vector<1024x128xbf16>
    %add3A_282 = arith.addf %slice3A_280, %slice3A_281 : vector<1024x128xbf16>
    %mul3A_283 = arith.constant 5.000000e-01 : bf16
    %mul3A_284 = vector.broadcast %mul3A_283 : bf16 to vector<1024x128xbf16>
    %mul3A_285 = arith.mulf %mul3A_284, %add3A_282 : vector<1024x128xbf16>
    %tanh3A_286 = math.tanh %mul3A_285 : vector<1024x128xbf16>
    %slice3A_287 = vector.extract_strided_slice %slice3A_273 {offsets = [0, 128], sizes = [1024, 128], strides = [1, 1]} : vector<1024x384xbf16> to vector<1024x128xbf16>
    %slice3A_288 = vector.extract_strided_slice %convert_element_type3A_279 {offsets = [0, 128], sizes = [1024, 128], strides = [1, 1]} : vector<1024x384xbf16> to vector<1024x128xbf16>
    %add3A_289 = arith.addf %slice3A_287, %slice3A_288 : vector<1024x128xbf16>
    %mul3A_290 = arith.constant 5.000000e-01 : bf16
    %mul3A_291 = vector.broadcast %mul3A_290 : bf16 to vector<1024x128xbf16>
    %mul3A_292 = arith.mulf %mul3A_291, %add3A_289 : vector<1024x128xbf16>
    %tanh3A_293 = math.tanh %mul3A_292 : vector<1024x128xbf16>
    %slice3A_294 = vector.extract_strided_slice %convert_element_type3A_279 {offsets = [0, 256], sizes = [1024, 128], strides = [1, 1]} : vector<1024x384xbf16> to vector<1024x128xbf16>
    %get3A_295 = arith.constant 0 : index
    %get3A_296 = arith.constant 0 : index
    %get3A_297 = vector.load %arg5[%get3A_295, %get3A_296] : memref<1x128xbf16, #tpu.memory_space<vmem>>, vector<1x128xbf16>
    %add3A_298 = vector.broadcast %get3A_297 : vector<1x128xbf16> to vector<1024x128xbf16>
    %add3A_299 = arith.addf %slice3A_294, %add3A_298 : vector<1024x128xbf16>
    %slice3A_300 = vector.extract_strided_slice %slice3A_273 {offsets = [0, 256], sizes = [1024, 128], strides = [1, 1]} : vector<1024x384xbf16> to vector<1024x128xbf16>
    %mul3A_301 = arith.constant 5.000000e-01 : bf16
    %mul3A_302 = vector.broadcast %mul3A_301 : bf16 to vector<1024x128xbf16>
    %mul3A_303 = arith.mulf %mul3A_302, %tanh3A_286 : vector<1024x128xbf16>
    %add3A_304 = arith.constant 5.000000e-01 : bf16
    %add3A_305 = vector.broadcast %add3A_304 : bf16 to vector<1024x128xbf16>
    %add3A_306 = arith.addf %mul3A_303, %add3A_305 : vector<1024x128xbf16>
    %mul3A_307 = arith.mulf %add3A_306, %add3A_299 : vector<1024x128xbf16>
    %add3A_308 = arith.addf %slice3A_300, %mul3A_307 : vector<1024x128xbf16>
    %tanh3A_309 = math.tanh %add3A_308 : vector<1024x128xbf16>
    %add3A_310 = arith.addf %tanh3A_309, %mul3A_272 : vector<1024x128xbf16>
    %sub3A_311 = arith.subf %mul3A_272, %tanh3A_309 : vector<1024x128xbf16>
    %mul3A_312 = arith.mulf %tanh3A_293, %sub3A_311 : vector<1024x128xbf16>
    %add3A_313 = arith.addf %add3A_310, %mul3A_312 : vector<1024x128xbf16>
    %mul3A_314 = arith.constant 5.000000e-01 : bf16
    %mul3A_315 = vector.broadcast %mul3A_314 : bf16 to vector<1024x128xbf16>
    %mul3A_316 = arith.mulf %mul3A_315, %add3A_313 : vector<1024x128xbf16>
    %slice3A_317 = vector.extract_strided_slice %convert_element_type3A_10 {offsets = [7168, 0], sizes = [1024, 384], strides = [1, 1]} : vector<10240x384xbf16> to vector<1024x384xbf16>
    %get3A_318 = arith.constant 0 : index
    %get3A_319 = arith.constant 0 : index
    %get3A_320 = vector.load %arg4[%get3A_318, %get3A_319] : memref<128x384xbf16, #tpu.memory_space<vmem>>, vector<128x384xbf16>
    %dot_general3A_321 = arith.constant dense<0.000000e+00> : vector<1024x384xf32>
    %dot_general3A_322 = tpu.matmul %mul3A_316, %get3A_320, %dot_general3A_321 {dimension_numbers = #tpu.dot_dimension_numbers<[1], [0], [0], [1], [0, 0, 1, 1], [], []>, transpose_lhs_hint = false} : vector<1024x128xbf16>, vector<128x384xbf16>, vector<1024x384xf32> -> vector<1024x384xf32>
    %convert_element_type3A_323 = arith.truncf %dot_general3A_322 : vector<1024x384xf32> to vector<1024x384xbf16>
    %slice3A_324 = vector.extract_strided_slice %slice3A_317 {offsets = [0, 0], sizes = [1024, 128], strides = [1, 1]} : vector<1024x384xbf16> to vector<1024x128xbf16>
    %slice3A_325 = vector.extract_strided_slice %convert_element_type3A_323 {offsets = [0, 0], sizes = [1024, 128], strides = [1, 1]} : vector<1024x384xbf16> to vector<1024x128xbf16>
    %add3A_326 = arith.addf %slice3A_324, %slice3A_325 : vector<1024x128xbf16>
    %mul3A_327 = arith.constant 5.000000e-01 : bf16
    %mul3A_328 = vector.broadcast %mul3A_327 : bf16 to vector<1024x128xbf16>
    %mul3A_329 = arith.mulf %mul3A_328, %add3A_326 : vector<1024x128xbf16>
    %tanh3A_330 = math.tanh %mul3A_329 : vector<1024x128xbf16>
    %slice3A_331 = vector.extract_strided_slice %slice3A_317 {offsets = [0, 128], sizes = [1024, 128], strides = [1, 1]} : vector<1024x384xbf16> to vector<1024x128xbf16>
    %slice3A_332 = vector.extract_strided_slice %convert_element_type3A_323 {offsets = [0, 128], sizes = [1024, 128], strides = [1, 1]} : vector<1024x384xbf16> to vector<1024x128xbf16>
    %add3A_333 = arith.addf %slice3A_331, %slice3A_332 : vector<1024x128xbf16>
    %mul3A_334 = arith.constant 5.000000e-01 : bf16
    %mul3A_335 = vector.broadcast %mul3A_334 : bf16 to vector<1024x128xbf16>
    %mul3A_336 = arith.mulf %mul3A_335, %add3A_333 : vector<1024x128xbf16>
    %tanh3A_337 = math.tanh %mul3A_336 : vector<1024x128xbf16>
    %slice3A_338 = vector.extract_strided_slice %convert_element_type3A_323 {offsets = [0, 256], sizes = [1024, 128], strides = [1, 1]} : vector<1024x384xbf16> to vector<1024x128xbf16>
    %get3A_339 = arith.constant 0 : index
    %get3A_340 = arith.constant 0 : index
    %get3A_341 = vector.load %arg5[%get3A_339, %get3A_340] : memref<1x128xbf16, #tpu.memory_space<vmem>>, vector<1x128xbf16>
    %add3A_342 = vector.broadcast %get3A_341 : vector<1x128xbf16> to vector<1024x128xbf16>
    %add3A_343 = arith.addf %slice3A_338, %add3A_342 : vector<1024x128xbf16>
    %slice3A_344 = vector.extract_strided_slice %slice3A_317 {offsets = [0, 256], sizes = [1024, 128], strides = [1, 1]} : vector<1024x384xbf16> to vector<1024x128xbf16>
    %mul3A_345 = arith.constant 5.000000e-01 : bf16
    %mul3A_346 = vector.broadcast %mul3A_345 : bf16 to vector<1024x128xbf16>
    %mul3A_347 = arith.mulf %mul3A_346, %tanh3A_330 : vector<1024x128xbf16>
    %add3A_348 = arith.constant 5.000000e-01 : bf16
    %add3A_349 = vector.broadcast %add3A_348 : bf16 to vector<1024x128xbf16>
    %add3A_350 = arith.addf %mul3A_347, %add3A_349 : vector<1024x128xbf16>
    %mul3A_351 = arith.mulf %add3A_350, %add3A_343 : vector<1024x128xbf16>
    %add3A_352 = arith.addf %slice3A_344, %mul3A_351 : vector<1024x128xbf16>
    %tanh3A_353 = math.tanh %add3A_352 : vector<1024x128xbf16>
    %add3A_354 = arith.addf %tanh3A_353, %mul3A_316 : vector<1024x128xbf16>
    %sub3A_355 = arith.subf %mul3A_316, %tanh3A_353 : vector<1024x128xbf16>
    %mul3A_356 = arith.mulf %tanh3A_337, %sub3A_355 : vector<1024x128xbf16>
    %add3A_357 = arith.addf %add3A_354, %mul3A_356 : vector<1024x128xbf16>
    %mul3A_358 = arith.constant 5.000000e-01 : bf16
    %mul3A_359 = vector.broadcast %mul3A_358 : bf16 to vector<1024x128xbf16>
    %mul3A_360 = arith.mulf %mul3A_359, %add3A_357 : vector<1024x128xbf16>
    %slice3A_361 = vector.extract_strided_slice %convert_element_type3A_10 {offsets = [8192, 0], sizes = [1024, 384], strides = [1, 1]} : vector<10240x384xbf16> to vector<1024x384xbf16>
    %get3A_362 = arith.constant 0 : index
    %get3A_363 = arith.constant 0 : index
    %get3A_364 = vector.load %arg4[%get3A_362, %get3A_363] : memref<128x384xbf16, #tpu.memory_space<vmem>>, vector<128x384xbf16>
    %dot_general3A_365 = arith.constant dense<0.000000e+00> : vector<1024x384xf32>
    %dot_general3A_366 = tpu.matmul %mul3A_360, %get3A_364, %dot_general3A_365 {dimension_numbers = #tpu.dot_dimension_numbers<[1], [0], [0], [1], [0, 0, 1, 1], [], []>, transpose_lhs_hint = false} : vector<1024x128xbf16>, vector<128x384xbf16>, vector<1024x384xf32> -> vector<1024x384xf32>
    %convert_element_type3A_367 = arith.truncf %dot_general3A_366 : vector<1024x384xf32> to vector<1024x384xbf16>
    %slice3A_368 = vector.extract_strided_slice %slice3A_361 {offsets = [0, 0], sizes = [1024, 128], strides = [1, 1]} : vector<1024x384xbf16> to vector<1024x128xbf16>
    %slice3A_369 = vector.extract_strided_slice %convert_element_type3A_367 {offsets = [0, 0], sizes = [1024, 128], strides = [1, 1]} : vector<1024x384xbf16> to vector<1024x128xbf16>
    %add3A_370 = arith.addf %slice3A_368, %slice3A_369 : vector<1024x128xbf16>
    %mul3A_371 = arith.constant 5.000000e-01 : bf16
    %mul3A_372 = vector.broadcast %mul3A_371 : bf16 to vector<1024x128xbf16>
    %mul3A_373 = arith.mulf %mul3A_372, %add3A_370 : vector<1024x128xbf16>
    %tanh3A_374 = math.tanh %mul3A_373 : vector<1024x128xbf16>
    %slice3A_375 = vector.extract_strided_slice %slice3A_361 {offsets = [0, 128], sizes = [1024, 128], strides = [1, 1]} : vector<1024x384xbf16> to vector<1024x128xbf16>
    %slice3A_376 = vector.extract_strided_slice %convert_element_type3A_367 {offsets = [0, 128], sizes = [1024, 128], strides = [1, 1]} : vector<1024x384xbf16> to vector<1024x128xbf16>
    %add3A_377 = arith.addf %slice3A_375, %slice3A_376 : vector<1024x128xbf16>
    %mul3A_378 = arith.constant 5.000000e-01 : bf16
    %mul3A_379 = vector.broadcast %mul3A_378 : bf16 to vector<1024x128xbf16>
    %mul3A_380 = arith.mulf %mul3A_379, %add3A_377 : vector<1024x128xbf16>
    %tanh3A_381 = math.tanh %mul3A_380 : vector<1024x128xbf16>
    %slice3A_382 = vector.extract_strided_slice %convert_element_type3A_367 {offsets = [0, 256], sizes = [1024, 128], strides = [1, 1]} : vector<1024x384xbf16> to vector<1024x128xbf16>
    %get3A_383 = arith.constant 0 : index
    %get3A_384 = arith.constant 0 : index
    %get3A_385 = vector.load %arg5[%get3A_383, %get3A_384] : memref<1x128xbf16, #tpu.memory_space<vmem>>, vector<1x128xbf16>
    %add3A_386 = vector.broadcast %get3A_385 : vector<1x128xbf16> to vector<1024x128xbf16>
    %add3A_387 = arith.addf %slice3A_382, %add3A_386 : vector<1024x128xbf16>
    %slice3A_388 = vector.extract_strided_slice %slice3A_361 {offsets = [0, 256], sizes = [1024, 128], strides = [1, 1]} : vector<1024x384xbf16> to vector<1024x128xbf16>
    %mul3A_389 = arith.constant 5.000000e-01 : bf16
    %mul3A_390 = vector.broadcast %mul3A_389 : bf16 to vector<1024x128xbf16>
    %mul3A_391 = arith.mulf %mul3A_390, %tanh3A_374 : vector<1024x128xbf16>
    %add3A_392 = arith.constant 5.000000e-01 : bf16
    %add3A_393 = vector.broadcast %add3A_392 : bf16 to vector<1024x128xbf16>
    %add3A_394 = arith.addf %mul3A_391, %add3A_393 : vector<1024x128xbf16>
    %mul3A_395 = arith.mulf %add3A_394, %add3A_387 : vector<1024x128xbf16>
    %add3A_396 = arith.addf %slice3A_388, %mul3A_395 : vector<1024x128xbf16>
    %tanh3A_397 = math.tanh %add3A_396 : vector<1024x128xbf16>
    %add3A_398 = arith.addf %tanh3A_397, %mul3A_360 : vector<1024x128xbf16>
    %sub3A_399 = arith.subf %mul3A_360, %tanh3A_397 : vector<1024x128xbf16>
    %mul3A_400 = arith.mulf %tanh3A_381, %sub3A_399 : vector<1024x128xbf16>
    %add3A_401 = arith.addf %add3A_398, %mul3A_400 : vector<1024x128xbf16>
    %mul3A_402 = arith.constant 5.000000e-01 : bf16
    %mul3A_403 = vector.broadcast %mul3A_402 : bf16 to vector<1024x128xbf16>
    %mul3A_404 = arith.mulf %mul3A_403, %add3A_401 : vector<1024x128xbf16>
    %slice3A_405 = vector.extract_strided_slice %convert_element_type3A_10 {offsets = [9216, 0], sizes = [1024, 384], strides = [1, 1]} : vector<10240x384xbf16> to vector<1024x384xbf16>
    %get3A_406 = arith.constant 0 : index
    %get3A_407 = arith.constant 0 : index
    %get3A_408 = vector.load %arg4[%get3A_406, %get3A_407] : memref<128x384xbf16, #tpu.memory_space<vmem>>, vector<128x384xbf16>
    %dot_general3A_409 = arith.constant dense<0.000000e+00> : vector<1024x384xf32>
    %dot_general3A_410 = tpu.matmul %mul3A_404, %get3A_408, %dot_general3A_409 {dimension_numbers = #tpu.dot_dimension_numbers<[1], [0], [0], [1], [0, 0, 1, 1], [], []>, transpose_lhs_hint = false} : vector<1024x128xbf16>, vector<128x384xbf16>, vector<1024x384xf32> -> vector<1024x384xf32>
    %convert_element_type3A_411 = arith.truncf %dot_general3A_410 : vector<1024x384xf32> to vector<1024x384xbf16>
    %slice3A_412 = vector.extract_strided_slice %slice3A_405 {offsets = [0, 0], sizes = [1024, 128], strides = [1, 1]} : vector<1024x384xbf16> to vector<1024x128xbf16>
    %slice3A_413 = vector.extract_strided_slice %convert_element_type3A_411 {offsets = [0, 0], sizes = [1024, 128], strides = [1, 1]} : vector<1024x384xbf16> to vector<1024x128xbf16>
    %add3A_414 = arith.addf %slice3A_412, %slice3A_413 : vector<1024x128xbf16>
    %mul3A_415 = arith.constant 5.000000e-01 : bf16
    %mul3A_416 = vector.broadcast %mul3A_415 : bf16 to vector<1024x128xbf16>
    %mul3A_417 = arith.mulf %mul3A_416, %add3A_414 : vector<1024x128xbf16>
    %tanh3A_418 = math.tanh %mul3A_417 : vector<1024x128xbf16>
    %slice3A_419 = vector.extract_strided_slice %slice3A_405 {offsets = [0, 128], sizes = [1024, 128], strides = [1, 1]} : vector<1024x384xbf16> to vector<1024x128xbf16>
    %slice3A_420 = vector.extract_strided_slice %convert_element_type3A_411 {offsets = [0, 128], sizes = [1024, 128], strides = [1, 1]} : vector<1024x384xbf16> to vector<1024x128xbf16>
    %add3A_421 = arith.addf %slice3A_419, %slice3A_420 : vector<1024x128xbf16>
    %mul3A_422 = arith.constant 5.000000e-01 : bf16
    %mul3A_423 = vector.broadcast %mul3A_422 : bf16 to vector<1024x128xbf16>
    %mul3A_424 = arith.mulf %mul3A_423, %add3A_421 : vector<1024x128xbf16>
    %tanh3A_425 = math.tanh %mul3A_424 : vector<1024x128xbf16>
    %slice3A_426 = vector.extract_strided_slice %convert_element_type3A_411 {offsets = [0, 256], sizes = [1024, 128], strides = [1, 1]} : vector<1024x384xbf16> to vector<1024x128xbf16>
    %get3A_427 = arith.constant 0 : index
    %get3A_428 = arith.constant 0 : index
    %get3A_429 = vector.load %arg5[%get3A_427, %get3A_428] : memref<1x128xbf16, #tpu.memory_space<vmem>>, vector<1x128xbf16>
    %add3A_430 = vector.broadcast %get3A_429 : vector<1x128xbf16> to vector<1024x128xbf16>
    %add3A_431 = arith.addf %slice3A_426, %add3A_430 : vector<1024x128xbf16>
    %slice3A_432 = vector.extract_strided_slice %slice3A_405 {offsets = [0, 256], sizes = [1024, 128], strides = [1, 1]} : vector<1024x384xbf16> to vector<1024x128xbf16>
    %mul3A_433 = arith.constant 5.000000e-01 : bf16
    %mul3A_434 = vector.broadcast %mul3A_433 : bf16 to vector<1024x128xbf16>
    %mul3A_435 = arith.mulf %mul3A_434, %tanh3A_418 : vector<1024x128xbf16>
    %add3A_436 = arith.constant 5.000000e-01 : bf16
    %add3A_437 = vector.broadcast %add3A_436 : bf16 to vector<1024x128xbf16>
    %add3A_438 = arith.addf %mul3A_435, %add3A_437 : vector<1024x128xbf16>
    %mul3A_439 = arith.mulf %add3A_438, %add3A_431 : vector<1024x128xbf16>
    %add3A_440 = arith.addf %slice3A_432, %mul3A_439 : vector<1024x128xbf16>
    %tanh3A_441 = math.tanh %add3A_440 : vector<1024x128xbf16>
    %add3A_442 = arith.addf %tanh3A_441, %mul3A_404 : vector<1024x128xbf16>
    %sub3A_443 = arith.subf %mul3A_404, %tanh3A_441 : vector<1024x128xbf16>
    %mul3A_444 = arith.mulf %tanh3A_425, %sub3A_443 : vector<1024x128xbf16>
    %add3A_445 = arith.addf %add3A_442, %mul3A_444 : vector<1024x128xbf16>
    %mul3A_446 = arith.constant 5.000000e-01 : bf16
    %mul3A_447 = vector.broadcast %mul3A_446 : bf16 to vector<1024x128xbf16>
    %mul3A_448 = arith.mulf %mul3A_447, %add3A_445 : vector<1024x128xbf16>
    %lt3A = arith.constant 4 : i32
    %lt3A_449 = arith.cmpi slt, %arg0, %lt3A : i32
    %convert_element_type3A_450 = arith.extui %lt3A_449 : i1 to i32
    %cond3A_451 = arith.constant 0 : i32
    %cond3A_452 = arith.cmpi ne, %convert_element_type3A_450, %cond3A_451 : i32
    scf.if %cond3A_452 {
      %swap3A = arith.constant 0 : index
      %swap3A_458 = arith.constant 0 : index
      %swap3A_459 = vector.load %arg7[%swap3A, %swap3A_458] : memref<1024x128xbf16, #tpu.memory_space<vmem>>, vector<1024x128xbf16>
      tpu.vector_store %arg7[%swap3A, %swap3A_458], %mul3A_448 {strides = array<i32>} : memref<1024x128xbf16, #tpu.memory_space<vmem>>, vector<1024x128xbf16>,
    } else {
    }
    %eq3A_453 = arith.constant 4 : i32
    %eq3A_454 = arith.cmpi eq, %arg0, %eq3A_453 : i32
    %convert_element_type3A_455 = arith.extui %eq3A_454 : i1 to i32
    %cond3A_456 = arith.constant 0 : i32
    %cond3A_457 = arith.cmpi ne, %convert_element_type3A_455, %cond3A_456 : i32
    scf.if %cond3A_457 {
      %swap3A = arith.constant 0 : index
      %swap3A_458 = arith.constant 0 : index
      %swap3A_459 = vector.load %arg6[%swap3A, %swap3A_458] : memref<1024x128xbf16, #tpu.memory_space<vmem>>, vector<1024x128xbf16>
      tpu.vector_store %arg6[%swap3A, %swap3A_458], %mul3A_448 {strides = array<i32>} : memref<1024x128xbf16, #tpu.memory_space<vmem>>, vector<1024x128xbf16>,
    } else {
    }
    return
  }
  func.func @transform_0(%arg0: i32) -> (i32, i32, i32) {
    %c0_i32 = arith.constant 0 : i32
    %c0_i32_0 = arith.constant 0 : i32
    %c0_i32_1 = arith.constant 0 : i32
    return %arg0, %c0_i32, %c0_i32_0 : i32, i32, i32
  }
  func.func @transform_1(%arg0: i32) -> (i32, i32) {
    %c0_i32 = arith.constant 0 : i32
    %c0_i32_0 = arith.constant 0 : i32
    %c0_i32_1 = arith.constant 0 : i32
    return %c0_i32, %c0_i32_0 : i32, i32
  }
  func.func @transform_2(%arg0: i32) -> (i32, i32) {
    %c0_i32 = arith.constant 0 : i32
    %c0_i32_0 = arith.constant 0 : i32
    %c0_i32_1 = arith.constant 0 : i32
    return %c0_i32, %c0_i32_0 : i32, i32
  }
  func.func @transform_3(%arg0: i32) -> (i32, i32) {
    %c0_i32 = arith.constant 0 : i32
    %c0_i32_0 = arith.constant 0 : i32
    %c0_i32_1 = arith.constant 0 : i32
    return %c0_i32, %c0_i32_0 : i32, i32
  }
  func.func @transform_4(%arg0: i32) -> (i32, i32) {
    %c0_i32 = arith.constant 0 : i32
    %c0_i32_0 = arith.constant 0 : i32
    %c0_i32_1 = arith.constant 0 : i32
    return %c0_i32, %c0_i32_0 : i32, i32
  }
  func.func @transform_5(%arg0: i32) -> (i32, i32) {
    %c0_i32 = arith.constant 0 : i32
    %c0_i32_0 = arith.constant 0 : i32
    %c0_i32_1 = arith.constant 0 : i32
    return %c0_i32, %c0_i32_0 : i32, i32
  }
}

module attributes {stable_mosaic.version = 14 : i64} {
  func.func @_final_body(%arg0: memref<1024x128xbf16, #tpu.memory_space<vmem>>, %arg1: memref<128x128xbf16, #tpu.memory_space<vmem>>, %arg2: memref<1x128xf32, #tpu.memory_space<vmem>>, %arg3: memref<1024x2xf32, #tpu.memory_space<vmem>>) attributes {dimension_semantics = [], scalar_prefetch = 0 : i64, scratch_operands = 0 : i64, tpu.core_type = #tpu.core_type<tc>} {
    %get3A = arith.constant 0 : index
    %get3A_0 = arith.constant 0 : index
    %get3A_1 = vector.load %arg0[%get3A, %get3A_0] : memref<1024x128xbf16, #tpu.memory_space<vmem>>, vector<1024x128xbf16>
    %convert_element_type3A = arith.extf %get3A_1 : vector<1024x128xbf16> to vector<1024x128xf32>
    %tanh3A = math.tanh %convert_element_type3A : vector<1024x128xf32>
    %convert_element_type3A_2 = arith.truncf %tanh3A : vector<1024x128xf32> to vector<1024x128xbf16>
    %get3A_3 = arith.constant 0 : index
    %get3A_4 = arith.constant 0 : index
    %get3A_5 = vector.load %arg1[%get3A_3, %get3A_4] : memref<128x128xbf16, #tpu.memory_space<vmem>>, vector<128x128xbf16>
    %dot_general3A = arith.constant dense<0.000000e+00> : vector<1024x128xf32>
    %dot_general3A_6 = tpu.matmul %convert_element_type3A_2, %get3A_5, %dot_general3A {dimension_numbers = #tpu.dot_dimension_numbers<[1], [0], [0], [1], [0, 0, 1, 1], [], []>, transpose_lhs_hint = false} : vector<1024x128xbf16>, vector<128x128xbf16>, vector<1024x128xf32> -> vector<1024x128xf32>
    %get3A_7 = arith.constant 0 : index
    %get3A_8 = arith.constant 0 : index
    %get3A_9 = vector.load %arg2[%get3A_7, %get3A_8] : memref<1x128xf32, #tpu.memory_space<vmem>>, vector<1x128xf32>
    %add3A = vector.broadcast %get3A_9 : vector<1x128xf32> to vector<1024x128xf32>
    %add3A_10 = arith.addf %dot_general3A_6, %add3A : vector<1024x128xf32>
    %reduce_max3A = arith.constant dense<0xFF800000> : vector<1024xf32>
    %reduce_max3A_11 = vector.multi_reduction <maximumf>, %add3A_10, %reduce_max3A [1] : vector<1024x128xf32> to vector<1024xf32>
    %broadcast_in_dim3A = vector.shape_cast %reduce_max3A_11 : vector<1024xf32> to vector<1024x1xf32>
    %sub3A = vector.broadcast %broadcast_in_dim3A : vector<1024x1xf32> to vector<1024x128xf32>
    %sub3A_12 = arith.subf %add3A_10, %sub3A : vector<1024x128xf32>
    %exp3A = math.exp %sub3A_12 : vector<1024x128xf32>
    %reduce_sum3A = arith.constant dense<0.000000e+00> : vector<1024xf32>
    %reduce_sum3A_13 = vector.multi_reduction <add>, %exp3A, %reduce_sum3A [1] : vector<1024x128xf32> to vector<1024xf32>
    %broadcast_in_dim3A_14 = vector.shape_cast %reduce_sum3A_13 : vector<1024xf32> to vector<1024x1xf32>
    %div3A = vector.broadcast %broadcast_in_dim3A_14 : vector<1024x1xf32> to vector<1024x128xf32>
    %div3A_15 = arith.divf %exp3A, %div3A : vector<1024x128xf32>
    %slice3A = vector.extract_strided_slice %div3A_15 {offsets = [0, 0], sizes = [1024, 2], strides = [1, 1]} : vector<1024x128xf32> to vector<1024x2xf32>
    %swap3A = arith.constant 0 : index
    %swap3A_16 = arith.constant 0 : index
    %swap3A_17 = vector.load %arg3[%swap3A, %swap3A_16] : memref<1024x2xf32, #tpu.memory_space<vmem>>, vector<1024x2xf32>
    tpu.vector_store %arg3[%swap3A, %swap3A_16], %slice3A {strides = array<i32>} : memref<1024x2xf32, #tpu.memory_space<vmem>>, vector<1024x2xf32>,
    return
  }
}

</mosaic_0001>

<sc_bundles>
// kernel: kernel.11.cloned.1.call-start
scs
__scs_entry_jumppad:
0x0: {  	(pc) =	sbr.rel $0x88, $3  }
0x1: {  	(tag) =	ssettag $0x0;
	lr =	simm.s32 $0x1  }
0x2: {  	[smem:$0x3F99] =	sst lr;
	_ =	strace $0xD0000000  }
0x3: {  	_ = 	snop  }
0x4: {  	_ = 	snop  }
0x5: {  	_ = 	snop  }
0x6: {  	_ = 	snop  }
0x7: {  	_ = 	snop  }
__scs_overlays_trampoline_lowered:
0x8: {  	[smem:$0x3FA8] =	sst s0  }
0x9: {  	[smem:$0x3FA9] =	sst s1  }
0xa: {  	[smem:$0x3FAA] =	sst s2  }
0xb: {  	[smem:$0x3FAB] =	sst s3  }
0xc: {  	[smem:$0x3FAC] =	sst s4  }
0xd: {  	[smem:$0x3FAD] =	sst s5  }
0xe: {  	[smem:$0x3FAE] =	sst s6  }
0xf: {  	[smem:$0x3FAF] =	sst s7  }
0x10: {  	[smem:$0x3FB0] =	sst s8  }
0x11: {  	[smem:$0x3FB1] =	sst s9;
	s0 =	simm.s32 @!p0 $0x0  }
0x12: {  	s1 =	sld [smem:$0x3F97];
	s0 =	simm.s32 @p0 $0x1  }
0x13: {  	[smem:$0x3FB2] =	sst s0;
	s0 =	simm.s32 @!p1 $0x0  }
0x14: {  	s2 =	sld [smem:$0x3F96];
	s0 =	simm.s32 @p1 $0x1  }
0x15: {  	[smem:$0x3FB3] =	sst s0;
	s0 =	simm.s32 @!p2 $0x0  }
0x16: {  	s3 =	sld [smem:$0x3FDB];
	s0 =	simm.s32 @p2 $0x1  }
0x17: {  	s4 =	simm.s32 $0x1BF5;
	[smem:$0x3FB5] =	sst s0  }
0x18: {  	s0 =	sld [smem:$0x3F98];
	_ =	swait.ge [sflag:s4], $0x0  }
0x19: {  	s7 =	sld [smem:$0x3F99]  }
0x1a: {  	s8 =	sadd.s32 $0xFFFFE003, lr  }
0x1b: {  	s9 =	sadd.s32 $0xFFFFFEF7, lr;
	s5 =	simm.s32 $0xFFFFFFFF;
	p2 =	slt.u32 s8, $0xFFFFF086  }
0x1c: {  	p1 =	slt.u32 s9, $0xF7A;
	s5 =	simm.s32 @!p2 $0x0  }
0x1d: {  	s5 =	simm.s32 @p1 $0x1;
	p0 =	seq.s32 s7, s2  }
0x1e: {  	s7 =	smul.u32 @!p0 $0xF7A, s2;
	p2 =	seq.s32 @!p0 s5, $0x0  }
0x1f: {  	s9 =	smul.u32 $0xF7A, s1;
	s8 =	simm.s32 @!p0 $0x1BF5;
	p2 =	por !p2, p0  }
0x20: {  	[sflag:s8] =	ssyncset.s32 @!p0 $0xFFFFF086;
	s6 =	sadd.s32 @!p0 s3, s7;
	s7 =	simm.s32 @!p0 $0x108  }
0x21: {  	s3 =	sadd.s32 s3, s9;
	s6 =	sadd.s32 @!p0 $0x88, s6;
	s7 =	simm.s32 @p2 $0x1082  }
0x22: {  	[simem:s7], [sflag:s8] =	dma.local @!p0 [hbm:s6], $0xF7A  }
0x23: {  	s9 =	sor.u32 $0xD0000000, s2;
	s6 =	simm.s32 $0x108;
	_ =	swait.ge @!p0 [sflag:s8], $0x0  }
0x24: {  	s3 =	sadd.s32 $0x88, s3;
	s6 =	simm.s32 @!p1 $0x1082;
	[sflag:s4] =	ssyncset.s32 $0xFFFFF086  }
0x25: {  	[simem:s6], [sflag:s4] =	dma.local [hbm:s3], $0xF7A  }
0x26: {  	[smem:$0x3F99] =	sst s1;
	(tag) =	ssettag s2;
	_ =	strace s9  }
0x27: {  	s1 =	sld [smem:$0x3FA9]  }
0x28: {  	s2 =	sld [smem:$0x3FAA]  }
0x29: {  	s4 =	sld [smem:$0x3FAC]  }
0x2a: {  	p0 =	seq.s32 s5, $0x0;
	s5 =	sld [smem:$0x3FAD]  }
0x2b: {  	s6 =	sld [smem:$0x3FAE]  }
0x2c: {  	s7 =	sld [smem:$0x3FAF]  }
0x2d: {  	s3 =	simm.s32 $0x108;
	s8 =	sld [smem:$0x3FB0]  }
0x2e: {  	s3 =	simm.s32 @!p0 $0x1082;
	s9 =	sld [smem:$0x3FB1]  }
0x2f: {  	lr =	sadd.s32 s0, s3;
	s0 =	sld [smem:$0x3FA8]  }
0x30: {  	s3 =	sld [smem:$0x3FAB]  }
0x31: {  	[smem:$0x3FB4] =	sst s10  }
0x32: {  	s10 =	sld [smem:$0x3FB2];
	_ =	sdelay $0x3  }
0x33: {  	p0 =	seq.s32 s10, $0x1;
	s10 =	sld [smem:$0x3FB4];
	_ =	sdelay $0x3  }
0x34: {  	[smem:$0x3FB4] =	sst s10  }
0x35: {  	s10 =	sld [smem:$0x3FB3];
	_ =	sdelay $0x3  }
0x36: {  	p1 =	seq.s32 s10, $0x1;
	s10 =	sld [smem:$0x3FB4];
	_ =	sdelay $0x3  }
0x37: {  	[smem:$0x3FB4] =	sst s10  }
0x38: {  	s10 =	sld [smem:$0x3FB5]  }
0x39: {  	_ = 	snop;
	(pc) =	sbr.ind lr, $3  }
0x3a: {  	_ = 	snop  }
0x3b: {  	_ = 	snop  }
0x3c: {  	p2 =	seq.s32 s10, $0x1;
	s10 =	sld [smem:$0x3FB4]  }
0x3d: {  	_ =	shalt  }
0x3e: {  	_ =	shalt  }
0x3f: {  	_ =	shalt  }
0x40: {  	_ =	shalt  }
0x41: {  	_ =	shalt  }
0x42: {  	_ =	shalt  }
0x43: {  	_ =	shalt  }
0x44: {  	_ =	shalt  }
0x45: {  	_ =	shalt  }
0x46: {  	_ =	shalt  }
0x47: {  	_ =	shalt  }
0x48: {  	_ =	shalt  }
0x49: {  	_ =	shalt  }
0x4a: {  	_ =	shalt  }
0x4b: {  	_ =	shalt  }
0x4c: {  	_ =	shalt  }
0x4d: {  	_ =	shalt  }
0x4e: {  	_ =	shalt  }
0x4f: {  	_ =	shalt  }
0x50: {  	_ =	shalt  }
0x51: {  	_ =	shalt  }
0x52: {  	_ =	shalt  }
0x53: {  	_ =	shalt  }
0x54: {  	_ =	shalt  }
0x55: {  	_ =	shalt  }
0x56: {  	_ =	shalt  }
0x57: {  	_ =	shalt  }
0x58: {  	_ =	shalt  }
0x59: {  	_ =	shalt  }
0x5a: {  	_ =	shalt  }
0x5b: {  	_ =	shalt  }
0x5c: {  	_ =	shalt  }
0x5d: {  	_ =	shalt  }
0x5e: {  	_ =	shalt  }
0x5f: {  	_ =	shalt  }
0x60: {  	_ =	shalt  }
0x61: {  	_ =	shalt  }
0x62: {  	_ =	shalt  }
0x63: {  	_ =	shalt  }
0x64: {  	_ =	shalt  }
0x65: {  	_ =	shalt  }
0x66: {  	_ =	shalt  }
0x67: {  	_ =	shalt  }
0x68: {  	_ =	shalt  }
0x69: {  	_ =	shalt  }
0x6a: {  	_ =	shalt  }
0x6b: {  	_ =	shalt  }
0x6c: {  	_ =	shalt  }
0x6d: {  	_ =	shalt  }
0x6e: {  	_ =	shalt  }
0x6f: {  	_ =	shalt  }
0x70: {  	_ =	shalt  }
0x71: {  	_ =	shalt  }
0x72: {  	_ =	shalt  }
0x73: {  	_ =	shalt  }
0x74: {  	_ =	shalt  }
0x75: {  	_ =	shalt  }
0x76: {  	_ =	shalt  }
0x77: {  	_ =	shalt  }
0x78: {  	_ =	shalt  }
0x79: {  	_ =	shalt  }
0x7a: {  	_ =	shalt  }
0x7b: {  	_ =	shalt  }
0x7c: {  	_ =	shalt  }
0x7d: {  	_ =	shalt  }
0x7e: {  	_ =	shalt  }
0x7f: {  	_ =	shalt  }
0x80: {  	_ =	shalt  }
0x81: {  	_ =	shalt  }
0x82: {  	_ =	shalt  }
0x83: {  	_ =	shalt  }
0x84: {  	_ =	shalt  }
0x85: {  	_ =	shalt  }
0x86: {  	_ =	shalt  }
0x87: {  	_ =	shalt  }
.Lfunc_end0:
.L_simem_size_0:
called_computation_lowered:
.L_overlay_start_0:
0x88: {  	s2 =	sld [smem:$0x3FD9]  }
0x89: {  	s3 =	sld [smem:$0x3FFE];
	_ =	sdelay $0x1  }
0x8a: {  	s1 =	srdreg.scid  }
0x8b: {  	s0 =	sand.u32 $0x1, s1  }
0x8c: {  	s16 =	sshll.u32 s0, $0xA;
	s2 =	sadd.s32 s3, s2  }
0x8d: {  	s2 =	sadd.s32 s2, s16  }
0x8e: {  	[smem:$0x3FC0] =	sst s2  }
0x8f: {  	_ = 	snop  }
0x90: {  	(tm) =	ssettm $0x1  }
0x91: {  	s17 =	sld [smem:$0x3FFB];
	_ =	sdelay $0x3  }
0x92: {  	_ =	strace s17  }
0x93: {  	s2 =	sld [smem:$0x3FFC];
	_ =	sdelay $0x3  }
0x94: {  	_ =	strace s2  }
0x95: {  	s2 =	sld [smem:$0x3FFD];
	_ =	sdelay $0x3  }
0x96: {  	_ =	strace s2  }
0x97: {  	_ =	strace $0x8FFFFFFF  }
0x98: {  	s18 =	sld [smem:$0x3FDB];
	_ =	sdelay $0x1  }
0x99: {  	s19 =	simm.s32 $_scs_section_size  }
0x9a: {  	s4 =	simm.s32 $_size__tile_overlayer_lowered;
	s5 =	simm.s32 $_tile_overlayer_lowered  }
0x9b: {  	s22 =	simm.s32 $0x1BFF;
	s21 =	sshll.u32 s5, $0x1;
	s2 =	sadd.s32 s19, s18  }
0x9c: {  	s6 =	simm.s32 $0x0;
	s20 =	sshll.u32 s4, $0x1;
	s4 =	sadd.s32 s21, s2  }
0x9d: {  	[timem:s6], [sflag:s22] =	dma.local [hbm:s4], s20  }
0x9e: {  	_ =	swait.ge [sflag:s22], s20  }
0x9f: {  	s3 =	ssub.s32 $0x0, s20;
	[sflag:s22] =	ssyncset.done $0x0  }
0xa0: {  	[sflag:s22] =	ssyncadd.s32 s3;
	_ =	sdelay $0x1  }
0xa1: {  	s23 =	simm.s32 $0x1B8B  }
0xa2: {  	_ =	swait.ge [sflag:s23], $0x1  }
0xa3: {  	[sflag:s23] =	ssyncset.done $0x0  }
0xa4: {  	s25 =	simm.s32 $0x1B8E;
	s24 =	sld [smem:$0x3FFE];
	[sflag:s23] =	ssyncadd.s32 $0xFFFFFFFF  }
0xa5: {  	s26 =	simm.s32 $execute0_lowered;
	[smem:$0x3FD2] =	sst s25  }
0xa6: {  	s4 =	sshll.u32 s26, $0x1;
	_ =	strace $0x80000046;
	[dreg:$0x1] =	wrdreg $0xFFFFFFFF  }
0xa7: {  	s28 =	simm.s32 $_size_execute0_lowered;
	s2 =	sadd.s32 s2, s4;
	[dreg:$0x0] =	wrdreg $0x0  }
0xa8: {  	s4 =	sshll.u32 s28, $0x1;
	[dreg:$0x2] =	wrdreg s2  }
0xa9: {  	[dreg:$0x3] =	wrdreg s4  }
0xaa: {  	[dreg:$0x4] =	wrdreg $0xC0  }
0xab: {  	_ =	task [dreg:s6], $0x5FFFF  }
0xac: {  	[dreg:$0x1] =	wrdreg $0xFFFFFFFF  }
0xad: {  	[dreg:$0x0] =	wrdreg $0x60  }
0xae: {  	[dreg:$0x2] =	wrdreg s24  }
0xaf: {  	[dreg:$0x3] =	wrdreg $0x9  }
0xb0: {  	_ =	task.clear_ibuf [dreg:s6], $0x4FFFF;
	_ =	strace $0x90000046  }
0xb1: {  	s29 =	simm.s32 $0x9;
	_ =	strace $0x80000048  }
0xb2: {  	_ =	swait.ge [sflag:s29], $0x1  }
0xb3: {  	[sflag:s29] =	ssyncadd.s32 $0xFFFFFFFF  }
0xb4: {  	_ =	strace $0x90000048  }
0xb5: {  	_ =	sfence  }
0xb6: {  	s30 =	sld [smem:$0x0];
	_ =	sdelay $0x2  }
0xb7: {  	s31 =	sshll.u32 s1, $0xD;
	s1 =	sshrl.u32 s1, $0x2  }
0xb8: {  	s3 =	sand.u32 $0x4000, s31;
	s1 =	sadd.s32 s1, s30  }
0xb9: {  	s0 =	sor.u32 s3, s0;
	s1 =	sshll.u32 s1, $0x11  }
0xba: {  	s0 =	sor.u32 s1, s0  }
0xbb: {  	s0 =	sadd.s32 $0x8F2B, s0  }
0xbc: {  	[sflag:s0] =	ssyncadd.remote.s32 $0x1  }
0xbd: {  	_ =	sfence.sel $0xFFFF  }
0xbe: {  	[dreg:$0x0] =	wrdreg $0xFFFFFFFF;
	(pc) =	sbr.abs _section_cstart, $3  }
0xbf: {  	[dreg:$0x1] =	wrdreg $0xFFFFFFFF  }
0xc0: {  	_ =	task.clear_ibuf [dreg:s6], $0x2FFFF;
	_ =	strace $0x9FFFFFFF  }
0xc1: {  	(tm) =	ssettm $0x7FFFFFFF  }
tec
execute0_lowered:
.L_overlay_start_1:
0x0: {  	(tag) =	ssettag $0x1  }
0x1: {  	s1 =	srdreg.scid;
	s0 =	stileid.u32  }
0x2: {  	s4 =	rddreg [dreg:$0x0];
	s2 =	simm.s32 $0x0;
	s11 =	simm.s32 $0xC00  }
0x3: {  	s12 =	simm.s32 $0x1;
	s13 =	simm.s32 $0x3400;
	s14 =	simm.s32 $0x2  }
0x4: {  	s15 =	simm.s32 $0x980;
	s6 =	sand.u32 $0x1, s1;
	s1 =	rddreg [dreg:$0x1]  }
0x5: {  	s16 =	simm.s32 $0x0;
	s3 =	sshll.u32 s0, $0x1;
	[smem:$0x7FF] =	sst s2  }
0x6: {  	s9 =	sadd.s32 $0x7AE00, s4;
	s29 =	smul.u32 $0xC800, s0;
	s5 =	sor.u32 s6, s3  }
0x7: {  	_ =	strace $0x80000047;
	s8 =	ssub.s32 $0x2, s6;
	s7 =	smul.u32 $0x180, s5  }
0x8: {  	s3 =	sadd.s32 $0x5A00, s4;
	s26 =	sshrl.u32 s8, $0x1;
	s10 =	smul.u32 $0x6400, s5  }
0x9: {  	s31 =	smul.u32 $0x6400, s6;
	s28 =	ssub.s32 s8, s26;
	s8 =	sadd.s32 s29, s9  }
0xa: {  	s7 =	sadd.s32 s7, s4;
	s5 =	smax.u32 s28, $0x1;
	s30 =	sadd.s32 s9, s10  }
0xb: {  	s8 =	sadd.s32 s31, s8;
	s9 =	simm.s32 $0x3;
	s10 =	simm.s32 $0x50  }
0xc: {  	s4 =	sadd.s32 $0x2A00, s7;
	s6 =	sadd.s32 $0x5A00, s30;
	s7 =	sadd.s32 $0x5F00, s30  }
.LBB2_1:
0xd: {  	[tilespmem:s2], [sflag:$0x3] =	stream.linear.gather [hbm4b:s4+s2], $0xA00, $0x38;
	[tilespmem:$0x5C00] =	vst v63  }
0xe: {  	_ =	swait.ge [sflag:s9], $0xA00  }
0xf: {  	[sflag:s9] =	ssyncset.done $0x0  }
0x10: {  	[sflag:s9] =	ssyncadd.s32 $0xFFFFF600  }
0x11: {  	[tilespmem:s11], [sflag:$0x1] =	stream.indirect.gather [hbm4b:s3+s10], $0x80, s2, s10, $0xb8;
	[tilespmem:$0x5C00] =	vst v63  }
0x12: {  	_ =	swait.ge [sflag:s12], $0x2800  }
0x13: {  	[sflag:s12] =	ssyncset.done $0x0  }
0x14: {  	s17 =	simm.s32 $0x80;
	[sflag:s12] =	ssyncadd.s32 $0xFFFFD800  }
0x15: {  	[tilespmem:s13], [sflag:$0x2] =	stream.indirect.gather [hbm4b:s3+s10], $0x80, s17, s10, $0xb8;
	[tilespmem:$0x5C00] =	vst v63  }
0x16: {  	s18 =	sadd.s32 $0x0, s8  }
0x17: {  	[hbm4b:s18+s2] =	stream.linear.scatter [tilespmem:s11], [sflag:$0x3], $0x2800, $0x38;
	[tilespmem:$0x5C00] =	vst v63  }
0x18: {  	_ =	swait.ge [sflag:s9], $0x2800  }
0x19: {  	[sflag:s9] =	ssyncset.done $0x0  }
0x1a: {  	[sflag:s9] =	ssyncadd.s32 $0xFFFFD800  }
0x1b: {  	_ =	swait.ge [sflag:s14], $0x2800  }
0x1c: {  	[sflag:s14] =	ssyncset.done $0x0  }
0x1d: {  	s19 =	simm.s32 $0x100;
	[sflag:s14] =	ssyncadd.s32 $0xFFFFD800  }
0x1e: {  	[tilespmem:s11], [sflag:$0x1] =	stream.indirect.gather [hbm4b:s3+s10], $0x80, s19, s10, $0xb8;
	[tilespmem:$0x5C00] =	vst v63  }
0x1f: {  	s18 =	sadd.s32 $0x500, s18  }
0x20: {  	[hbm4b:s18+s2] =	stream.linear.scatter [tilespmem:s13], [sflag:$0x3], $0x2800, $0x38;
	[tilespmem:$0x5C00] =	vst v63  }
0x21: {  	_ =	swait.ge [sflag:s9], $0x2800  }
0x22: {  	s18 =	simm.s32 $0xA00;
	[sflag:s9] =	ssyncset.done $0x0  }
.LBB2_2:
0x23: {  	p0 =	sne.s32 s18, $0x5000;
	[sflag:s9] =	ssyncadd.s32 $0xFFFFD800;
	s17 =	sadd.s32 $0x100, s17  }
0x24: {  	s19 =	smov.u32 s18;
	s18 =	sadd.s32 $0xA00, s18  }
0x25: {  	_ =	swait.ge [sflag:s12], $0x2800  }
0x26: {  	[sflag:s12] =	ssyncset.done $0x0  }
0x27: {  	[sflag:s12] =	ssyncadd.s32 $0xFFFFD800  }
0x28: {  	[tilespmem:s13], [sflag:$0x2] =	stream.indirect.gather [hbm4b:s3+s10], $0x80, s17, s10, $0xb8;
	[tilespmem:$0x5C00] =	vst v63  }
0x29: {  	s19 =	sadd.s32 s19, s8  }
0x2a: {  	[hbm4b:s19+s2] =	stream.linear.scatter [tilespmem:s11], [sflag:$0x3], $0x2800, $0x38;
	[tilespmem:$0x5C00] =	vst v63  }
0x2b: {  	_ =	swait.ge [sflag:s9], $0x2800  }
0x2c: {  	[sflag:s9] =	ssyncset.done $0x0  }
0x2d: {  	[sflag:s9] =	ssyncadd.s32 $0xFFFFD800  }
0x2e: {  	_ =	swait.ge [sflag:s14], $0x2800  }
0x2f: {  	[sflag:s14] =	ssyncset.done $0x0  }
0x30: {  	s20 =	sadd.s32 $0x80, s17;
	[sflag:s14] =	ssyncadd.s32 $0xFFFFD800  }
0x31: {  	[tilespmem:s11], [sflag:$0x1] =	stream.indirect.gather [hbm4b:s3+s10], $0x80, s20, s10, $0xb8;
	[tilespmem:$0x5C00] =	vst v63  }
.Ltmp0:
0x32: {  	_ = 	snop;
	(pc) =	sbr.rel @p0 .LBB2_2-.Ltmp0, $4  }
0x33: {  	s19 =	sadd.s32 $0x500, s19  }
0x34: {  	[hbm4b:s19+s2] =	stream.linear.scatter [tilespmem:s13], [sflag:$0x3], $0x2800, $0x38;
	[tilespmem:$0x5C00] =	vst v63  }
0x35: {  	_ =	swait.ge [sflag:s9], $0x2800  }
0x36: {  	[sflag:s9] =	ssyncset.done $0x0  }
0x37: {  	[sflag:s9] =	ssyncadd.s32 $0xFFFFD800  }
0x38: {  	_ =	swait.ge [sflag:s12], $0x2800  }
0x39: {  	[sflag:s12] =	ssyncset.done $0x0  }
0x3a: {  	[sflag:s12] =	ssyncadd.s32 $0xFFFFD800  }
0x3b: {  	[tilespmem:s13], [sflag:$0x2] =	stream.indirect.gather [hbm4b:s3+s10], $0x80, s15, s10, $0xb8;
	[tilespmem:$0x5C00] =	vst v63  }
0x3c: {  	_ = 	snop  }
0x3d: {  	[hbm4b:s6+s2] =	stream.linear.scatter [tilespmem:s11], [sflag:$0x3], $0x2800, $0x38;
	[tilespmem:$0x5C00] =	vst v63  }
0x3e: {  	_ =	swait.ge [sflag:s9], $0x2800  }
0x3f: {  	[sflag:s9] =	ssyncset.done $0x0  }
0x40: {  	[sflag:s9] =	ssyncadd.s32 $0xFFFFD800  }
0x41: {  	s16 =	sadd.s32 $0x1, s16;
	_ =	swait.ge [sflag:s14], $0x2800  }
0x42: {  	p0 =	sne.s32 s16, s5;
	[sflag:s14] =	ssyncset.done $0x0  }
.Ltmp1:
0x43: {  	[sflag:s14] =	ssyncadd.s32 $0xFFFFD800;
	(pc) =	sbr.rel @p0 .LBB2_1-.Ltmp1, $4  }
0x44: {  	[hbm4b:s7+s2] =	stream.linear.scatter [tilespmem:s13], [sflag:$0x3], $0x2800, $0x38;
	[tilespmem:$0x5C00] =	vst v63  }
0x45: {  	_ =	swait.ge [sflag:s9], $0x2800  }
0x46: {  	[sflag:s9] =	ssyncset.done $0x0  }
0x47: {  	[sflag:s9] =	ssyncadd.s32 $0xFFFFD800  }
0x48: {  	_ =	sfence.sel $0x180000  }
0x49: {  	[bflag:$0x0] =	sbarrier.arrive $0xFFFF  }
0x4a: {  	p0 =	sne.s32 s0, $0x0;
	_ =	strace $0x90000047  }
0x4b: {  	s0 =	sadd.s32 @!p0 $0x100000, s1;
	[bflag:$0x2] =	sbarrier.arrive $0xFFFF  }
0x4c: {  	[sflag:s0] =	ssyncadd.tile.s32 @!p0 $0x1;
	_ =	shalt  }
.Lfunc_end2:
_tile_overlayer_lowered:
.L_overlay_start_2:
0x4d: {  	(tag) =	ssettag $0x2  }
0x4e: {  	s0 =	rddreg [dreg:$0x0];
	s2 =	stileid.u32  }
0x4f: {  	s1 =	rddreg [dreg:$0x1];
	p0 =	sne.s32 s2, $0x0  }
0x50: {  	s3 =	rddreg [dreg:$0x2];
	[bflag:$0x3] =	sbarrier.arrive $0xFFFF;
	s2 =	simm.s32 @!p0 $0x1C03  }
0x51: {  	[timem:s3], [sflag:s2] =	dma.local @!p0 [hbm:s0], s1  }
0x52: {  	s0 =	simm.s32 @!p0 $0x3  }
0x53: {  	_ =	swait.ge @!p0 [sflag:s0], s1  }
0x54: {  	s1 =	ssub.s32 @!p0 $0x0, s1;
	[sflag:s0] =	ssyncset.done @!p0 $0x0  }
0x55: {  	[sflag:s0] =	ssyncadd.s32 @!p0 s1  }
0x56: {  	[bflag:$0x3] =	sbarrier.arrive $0xFFFF  }
0x57: {  	_ =	shalt  }

// kernel: kernel.14.cloned.1.call-start
scs
__scs_entry_jumppad:
0x0: {  	(pc) =	sbr.rel $0x88, $3  }
0x1: {  	(tag) =	ssettag $0x0;
	lr =	simm.s32 $0x1  }
0x2: {  	[smem:$0x3F99] =	sst lr;
	_ =	strace $0xD0000000  }
0x3: {  	_ = 	snop  }
0x4: {  	_ = 	snop  }
0x5: {  	_ = 	snop  }
0x6: {  	_ = 	snop  }
0x7: {  	_ = 	snop  }
__scs_overlays_trampoline_lowered:
0x8: {  	[smem:$0x3FA8] =	sst s0  }
0x9: {  	[smem:$0x3FA9] =	sst s1  }
0xa: {  	[smem:$0x3FAA] =	sst s2  }
0xb: {  	[smem:$0x3FAB] =	sst s3  }
0xc: {  	[smem:$0x3FAC] =	sst s4  }
0xd: {  	[smem:$0x3FAD] =	sst s5  }
0xe: {  	[smem:$0x3FAE] =	sst s6  }
0xf: {  	[smem:$0x3FAF] =	sst s7  }
0x10: {  	[smem:$0x3FB0] =	sst s8  }
0x11: {  	[smem:$0x3FB1] =	sst s9;
	s0 =	simm.s32 @!p0 $0x0  }
0x12: {  	s1 =	sld [smem:$0x3F97];
	s0 =	simm.s32 @p0 $0x1  }
0x13: {  	[smem:$0x3FB2] =	sst s0;
	s0 =	simm.s32 @!p1 $0x0  }
0x14: {  	s2 =	sld [smem:$0x3F96];
	s0 =	simm.s32 @p1 $0x1  }
0x15: {  	[smem:$0x3FB3] =	sst s0;
	s0 =	simm.s32 @!p2 $0x0  }
0x16: {  	s3 =	sld [smem:$0x3FDB];
	s0 =	simm.s32 @p2 $0x1  }
0x17: {  	s4 =	simm.s32 $0x1BF5;
	[smem:$0x3FB5] =	sst s0  }
0x18: {  	s0 =	sld [smem:$0x3F98];
	_ =	swait.ge [sflag:s4], $0x0  }
0x19: {  	s7 =	sld [smem:$0x3F99]  }
0x1a: {  	s8 =	sadd.s32 $0xFFFFE003, lr  }
0x1b: {  	s9 =	sadd.s32 $0xFFFFFEF7, lr;
	s5 =	simm.s32 $0xFFFFFFFF;
	p2 =	slt.u32 s8, $0xFFFFF086  }
0x1c: {  	p1 =	slt.u32 s9, $0xF7A;
	s5 =	simm.s32 @!p2 $0x0  }
0x1d: {  	s5 =	simm.s32 @p1 $0x1;
	p0 =	seq.s32 s7, s2  }
0x1e: {  	s7 =	smul.u32 @!p0 $0xF7A, s2;
	p2 =	seq.s32 @!p0 s5, $0x0  }
0x1f: {  	s9 =	smul.u32 $0xF7A, s1;
	s8 =	simm.s32 @!p0 $0x1BF5;
	p2 =	por !p2, p0  }
0x20: {  	[sflag:s8] =	ssyncset.s32 @!p0 $0xFFFFF086;
	s6 =	sadd.s32 @!p0 s3, s7;
	s7 =	simm.s32 @!p0 $0x108  }
0x21: {  	s3 =	sadd.s32 s3, s9;
	s6 =	sadd.s32 @!p0 $0x88, s6;
	s7 =	simm.s32 @p2 $0x1082  }
0x22: {  	[simem:s7], [sflag:s8] =	dma.local @!p0 [hbm:s6], $0xF7A  }
0x23: {  	s9 =	sor.u32 $0xD0000000, s2;
	s6 =	simm.s32 $0x108;
	_ =	swait.ge @!p0 [sflag:s8], $0x0  }
0x24: {  	s3 =	sadd.s32 $0x88, s3;
	s6 =	simm.s32 @!p1 $0x1082;
	[sflag:s4] =	ssyncset.s32 $0xFFFFF086  }
0x25: {  	[simem:s6], [sflag:s4] =	dma.local [hbm:s3], $0xF7A  }
0x26: {  	[smem:$0x3F99] =	sst s1;
	(tag) =	ssettag s2;
	_ =	strace s9  }
0x27: {  	s1 =	sld [smem:$0x3FA9]  }
0x28: {  	s2 =	sld [smem:$0x3FAA]  }
0x29: {  	s4 =	sld [smem:$0x3FAC]  }
0x2a: {  	p0 =	seq.s32 s5, $0x0;
	s5 =	sld [smem:$0x3FAD]  }
0x2b: {  	s6 =	sld [smem:$0x3FAE]  }
0x2c: {  	s7 =	sld [smem:$0x3FAF]  }
0x2d: {  	s3 =	simm.s32 $0x108;
	s8 =	sld [smem:$0x3FB0]  }
0x2e: {  	s3 =	simm.s32 @!p0 $0x1082;
	s9 =	sld [smem:$0x3FB1]  }
0x2f: {  	lr =	sadd.s32 s0, s3;
	s0 =	sld [smem:$0x3FA8]  }
0x30: {  	s3 =	sld [smem:$0x3FAB]  }
0x31: {  	[smem:$0x3FB4] =	sst s10  }
0x32: {  	s10 =	sld [smem:$0x3FB2];
	_ =	sdelay $0x3  }
0x33: {  	p0 =	seq.s32 s10, $0x1;
	s10 =	sld [smem:$0x3FB4];
	_ =	sdelay $0x3  }
0x34: {  	[smem:$0x3FB4] =	sst s10  }
0x35: {  	s10 =	sld [smem:$0x3FB3];
	_ =	sdelay $0x3  }
0x36: {  	p1 =	seq.s32 s10, $0x1;
	s10 =	sld [smem:$0x3FB4];
	_ =	sdelay $0x3  }
0x37: {  	[smem:$0x3FB4] =	sst s10  }
0x38: {  	s10 =	sld [smem:$0x3FB5]  }
0x39: {  	_ = 	snop;
	(pc) =	sbr.ind lr, $3  }
0x3a: {  	_ = 	snop  }
0x3b: {  	_ = 	snop  }
0x3c: {  	p2 =	seq.s32 s10, $0x1;
	s10 =	sld [smem:$0x3FB4]  }
0x3d: {  	_ =	shalt  }
0x3e: {  	_ =	shalt  }
0x3f: {  	_ =	shalt  }
0x40: {  	_ =	shalt  }
0x41: {  	_ =	shalt  }
0x42: {  	_ =	shalt  }
0x43: {  	_ =	shalt  }
0x44: {  	_ =	shalt  }
0x45: {  	_ =	shalt  }
0x46: {  	_ =	shalt  }
0x47: {  	_ =	shalt  }
0x48: {  	_ =	shalt  }
0x49: {  	_ =	shalt  }
0x4a: {  	_ =	shalt  }
0x4b: {  	_ =	shalt  }
0x4c: {  	_ =	shalt  }
0x4d: {  	_ =	shalt  }
0x4e: {  	_ =	shalt  }
0x4f: {  	_ =	shalt  }
0x50: {  	_ =	shalt  }
0x51: {  	_ =	shalt  }
0x52: {  	_ =	shalt  }
0x53: {  	_ =	shalt  }
0x54: {  	_ =	shalt  }
0x55: {  	_ =	shalt  }
0x56: {  	_ =	shalt  }
0x57: {  	_ =	shalt  }
0x58: {  	_ =	shalt  }
0x59: {  	_ =	shalt  }
0x5a: {  	_ =	shalt  }
0x5b: {  	_ =	shalt  }
0x5c: {  	_ =	shalt  }
0x5d: {  	_ =	shalt  }
0x5e: {  	_ =	shalt  }
0x5f: {  	_ =	shalt  }
0x60: {  	_ =	shalt  }
0x61: {  	_ =	shalt  }
0x62: {  	_ =	shalt  }
0x63: {  	_ =	shalt  }
0x64: {  	_ =	shalt  }
0x65: {  	_ =	shalt  }
0x66: {  	_ =	shalt  }
0x67: {  	_ =	shalt  }
0x68: {  	_ =	shalt  }
0x69: {  	_ =	shalt  }
0x6a: {  	_ =	shalt  }
0x6b: {  	_ =	shalt  }
0x6c: {  	_ =	shalt  }
0x6d: {  	_ =	shalt  }
0x6e: {  	_ =	shalt  }
0x6f: {  	_ =	shalt  }
0x70: {  	_ =	shalt  }
0x71: {  	_ =	shalt  }
0x72: {  	_ =	shalt  }
0x73: {  	_ =	shalt  }
0x74: {  	_ =	shalt  }
0x75: {  	_ =	shalt  }
0x76: {  	_ =	shalt  }
0x77: {  	_ =	shalt  }
0x78: {  	_ =	shalt  }
0x79: {  	_ =	shalt  }
0x7a: {  	_ =	shalt  }
0x7b: {  	_ =	shalt  }
0x7c: {  	_ =	shalt  }
0x7d: {  	_ =	shalt  }
0x7e: {  	_ =	shalt  }
0x7f: {  	_ =	shalt  }
0x80: {  	_ =	shalt  }
0x81: {  	_ =	shalt  }
0x82: {  	_ =	shalt  }
0x83: {  	_ =	shalt  }
0x84: {  	_ =	shalt  }
0x85: {  	_ =	shalt  }
0x86: {  	_ =	shalt  }
0x87: {  	_ =	shalt  }
.Lfunc_end0:
.L_simem_size_0:
called_computation.1_lowered:
.L_overlay_start_0:
0x88: {  	s2 =	sld [smem:$0x3FD9]  }
0x89: {  	s3 =	sld [smem:$0x3FFE];
	_ =	sdelay $0x1  }
0x8a: {  	s1 =	srdreg.scid  }
0x8b: {  	s0 =	sand.u32 $0x1, s1  }
0x8c: {  	s17 =	sshll.u32 s0, $0xA;
	s2 =	sadd.s32 s3, s2  }
0x8d: {  	s2 =	sadd.s32 s2, s17  }
0x8e: {  	[smem:$0x3FC0] =	sst s2  }
0x8f: {  	_ = 	snop  }
0x90: {  	(tm) =	ssettm $0x1  }
0x91: {  	s18 =	sld [smem:$0x3FFB];
	_ =	sdelay $0x3  }
0x92: {  	_ =	strace s18  }
0x93: {  	s2 =	sld [smem:$0x3FFC];
	_ =	sdelay $0x3  }
0x94: {  	_ =	strace s2  }
0x95: {  	s2 =	sld [smem:$0x3FFD];
	_ =	sdelay $0x3  }
0x96: {  	_ =	strace s2  }
0x97: {  	_ =	strace $0x8FFFFFFF  }
0x98: {  	s19 =	sld [smem:$0x3FDB];
	_ =	sdelay $0x1  }
0x99: {  	s20 =	simm.s32 $_scs_section_size  }
0x9a: {  	s4 =	simm.s32 $_size__tile_overlayer_lowered;
	s5 =	simm.s32 $_tile_overlayer_lowered  }
0x9b: {  	s6 =	simm.s32 $0x1BFF;
	s21 =	sshll.u32 s5, $0x1;
	s3 =	sadd.s32 s20, s19  }
0x9c: {  	s22 =	simm.s32 $0x0;
	s4 =	sshll.u32 s4, $0x1;
	s5 =	sadd.s32 s21, s3  }
0x9d: {  	[timem:s22], [sflag:s6] =	dma.local [hbm:s5], s4  }
0x9e: {  	_ =	swait.ge [sflag:s6], s4  }
0x9f: {  	s4 =	ssub.s32 $0x0, s4;
	[sflag:s6] =	ssyncset.done $0x0  }
0xa0: {  	[sflag:s6] =	ssyncadd.s32 s4;
	_ =	sdelay $0x1  }
0xa1: {  	s23 =	simm.s32 $0x1B8B  }
0xa2: {  	_ =	swait.ge [sflag:s23], $0x1  }
0xa3: {  	[sflag:s23] =	ssyncset.done $0x0  }
0xa4: {  	[sflag:s23] =	ssyncadd.s32 $0xFFFFFFFF  }
0xa5: {  	s4 =	sld [smem:$0x0]  }
0xa6: {  	s5 =	sand.u32 $0xFFFFFFFE, s1  }
0xa7: {  	p0 =	sne.s32 s1, s5  }
0xa8: {  	s5 =	sshll.u32 @p0 s5, $0xE  }
0xa9: {  	s5 =	sadd.s32 @p0 $0x11B8D, s5;
	s6 =	sshll.u32 @p0 s4, $0x11  }
0xaa: {  	s5 =	sor.u32 @p0 s6, s5  }
0xab: {  	[sflag:s5] =	ssyncadd.remote.s32 @p0 $0x1;
	_ =	sdelay $0x1  }
0xac: {  	s5 =	simm.s32 @p0 $0x1B8D  }
0xad: {  	_ =	swait.eq @p0 [sflag:s5], $0x1  }
0xae: {  	[sflag:s5] =	ssyncadd.s32 @p0 $0xFFFFFFFF  }
0xaf: {  	s6 =	sshll.u32 @!p0 s1, $0xE  }
0xb0: {  	s6 =	sor.u32 @!p0 $0x4000, s6;
	s5 =	simm.s32 @!p0 $0x1B8D  }
0xb1: {  	s4 =	sshll.u32 @!p0 s4, $0x11;
	s6 =	sadd.s32 @!p0 $0x11B8D, s6;
	_ =	swait.eq @!p0 [sflag:s5], $0x1  }
0xb2: {  	s4 =	sor.u32 @!p0 s4, s6;
	[sflag:s5] =	ssyncadd.s32 @!p0 $0xFFFFFFFF  }
0xb3: {  	s25 =	simm.s32 $0x1B8E;
	s24 =	sld [smem:$0x3FFE];
	[sflag:s4] =	ssyncadd.remote.s32 @!p0 $0x1  }
0xb4: {  	s26 =	simm.s32 $execute0_lowered;
	[smem:$0x3FD2] =	sst s25  }
0xb5: {  	s5 =	sshll.u32 s26, $0x1;
	_ =	strace $0x80000049;
	[dreg:$0x1] =	wrdreg $0xFFFFFFFF  }
0xb6: {  	s28 =	simm.s32 $_size_execute0_lowered;
	s3 =	sadd.s32 s3, s5;
	[dreg:$0x0] =	wrdreg $0x0  }
0xb7: {  	s5 =	sshll.u32 s28, $0x1;
	[dreg:$0x2] =	wrdreg s3  }
0xb8: {  	[dreg:$0x3] =	wrdreg s5  }
0xb9: {  	[dreg:$0x4] =	wrdreg $0xC0  }
0xba: {  	_ =	task [dreg:s22], $0x5FFFF  }
0xbb: {  	[dreg:$0x1] =	wrdreg $0xFFFFFFFF  }
0xbc: {  	[dreg:$0x0] =	wrdreg $0x60  }
0xbd: {  	[dreg:$0x2] =	wrdreg s24  }
0xbe: {  	[dreg:$0x3] =	wrdreg $0xA  }
0xbf: {  	_ =	task.clear_ibuf [dreg:s22], $0x4FFFF;
	_ =	strace $0x90000049  }
0xc0: {  	s29 =	simm.s32 $0xA;
	_ =	strace $0x8000004B  }
0xc1: {  	_ =	swait.ge [sflag:s29], $0x1  }
0xc2: {  	[sflag:s29] =	ssyncadd.s32 $0xFFFFFFFF  }
0xc3: {  	_ =	strace $0x9000004B  }
0xc4: {  	_ =	sfence  }
0xc5: {  	s30 =	sld [smem:$0x0];
	_ =	sdelay $0x2  }
0xc6: {  	s31 =	sshll.u32 s1, $0xD;
	s1 =	sshrl.u32 s1, $0x2  }
0xc7: {  	s4 =	sand.u32 $0x4000, s31;
	s1 =	sadd.s32 s1, s30  }
0xc8: {  	s0 =	sor.u32 s4, s0;
	s1 =	sshll.u32 s1, $0x11  }
0xc9: {  	s0 =	sor.u32 s1, s0  }
0xca: {  	s0 =	sadd.s32 $0x8F2B, s0  }
0xcb: {  	[sflag:s0] =	ssyncadd.remote.s32 $0x1  }
0xcc: {  	_ =	sfence.sel $0xFFFF  }
0xcd: {  	[dreg:$0x0] =	wrdreg $0xFFFFFFFF;
	(pc) =	sbr.abs _section_cstart, $3  }
0xce: {  	[dreg:$0x1] =	wrdreg $0xFFFFFFFF  }
0xcf: {  	_ =	task.clear_ibuf [dreg:s22], $0x2FFFF;
	_ =	strace $0x9FFFFFFF  }
0xd0: {  	(tm) =	ssettm $0x7FFFFFFF  }
0xd1: {  	_ =	shalt  }
tec
execute0_lowered:
.L_overlay_start_1:
0x0: {  	(tag) =	ssettag $0x1  }
0x1: {  	s1 =	srdreg.scid;
	s0 =	stileid.u32  }
0x2: {  	s4 =	rddreg [dreg:$0x0];
	s2 =	simm.s32 $0x0;
	s11 =	simm.s32 $0xC00  }
0x3: {  	s12 =	simm.s32 $0x1;
	s13 =	simm.s32 $0x3400;
	s14 =	simm.s32 $0x2  }
0x4: {  	s15 =	simm.s32 $0x980;
	s6 =	sand.u32 $0x1, s1;
	s1 =	rddreg [dreg:$0x1]  }
0x5: {  	s16 =	simm.s32 $0x0;
	s3 =	sshll.u32 s0, $0x1;
	[smem:$0x7FF] =	sst s2  }
0x6: {  	s9 =	sadd.s32 $0x145E00, s4;
	s29 =	smul.u32 $0xC800, s0;
	s5 =	sor.u32 s6, s3  }
0x7: {  	_ =	strace $0x8000004A;
	s8 =	ssub.s32 $0x2, s6;
	s7 =	smul.u32 $0x180, s5  }
0x8: {  	s3 =	sadd.s32 $0x5A00, s4;
	s26 =	sshrl.u32 s8, $0x1;
	s10 =	smul.u32 $0x6400, s5  }
0x9: {  	s31 =	smul.u32 $0x6400, s6;
	s28 =	ssub.s32 s8, s26;
	s8 =	sadd.s32 s29, s9  }
0xa: {  	s7 =	sadd.s32 s7, s4;
	s5 =	smax.u32 s28, $0x1;
	s30 =	sadd.s32 s9, s10  }
0xb: {  	s8 =	sadd.s32 s31, s8;
	s9 =	simm.s32 $0x3;
	s10 =	simm.s32 $0x50  }
0xc: {  	s4 =	sadd.s32 $0x142E00, s7;
	s6 =	sadd.s32 $0x5A00, s30;
	s7 =	sadd.s32 $0x5F00, s30  }
.LBB2_1:
0xd: {  	[tilespmem:s2], [sflag:$0x3] =	stream.linear.gather [hbm4b:s4+s2], $0xA00, $0x38;
	[tilespmem:$0x5C00] =	vst v63  }
0xe: {  	_ =	swait.ge [sflag:s9], $0xA00  }
0xf: {  	[sflag:s9] =	ssyncset.done $0x0  }
0x10: {  	[sflag:s9] =	ssyncadd.s32 $0xFFFFF600  }
0x11: {  	[tilespmem:s11], [sflag:$0x1] =	stream.indirect.gather [hbm4b:s3+s10], $0x80, s2, s10, $0xb8;
	[tilespmem:$0x5C00] =	vst v63  }
0x12: {  	_ =	swait.ge [sflag:s12], $0x2800  }
0x13: {  	[sflag:s12] =	ssyncset.done $0x0  }
0x14: {  	s17 =	simm.s32 $0x80;
	[sflag:s12] =	ssyncadd.s32 $0xFFFFD800  }
0x15: {  	[tilespmem:s13], [sflag:$0x2] =	stream.indirect.gather [hbm4b:s3+s10], $0x80, s17, s10, $0xb8;
	[tilespmem:$0x5C00] =	vst v63  }
0x16: {  	s18 =	sadd.s32 $0x0, s8  }
0x17: {  	[hbm4b:s18+s2] =	stream.linear.scatter [tilespmem:s11], [sflag:$0x3], $0x2800, $0x38;
	[tilespmem:$0x5C00] =	vst v63  }
0x18: {  	_ =	swait.ge [sflag:s9], $0x2800  }
0x19: {  	[sflag:s9] =	ssyncset.done $0x0  }
0x1a: {  	[sflag:s9] =	ssyncadd.s32 $0xFFFFD800  }
0x1b: {  	_ =	swait.ge [sflag:s14], $0x2800  }
0x1c: {  	[sflag:s14] =	ssyncset.done $0x0  }
0x1d: {  	s19 =	simm.s32 $0x100;
	[sflag:s14] =	ssyncadd.s32 $0xFFFFD800  }
0x1e: {  	[tilespmem:s11], [sflag:$0x1] =	stream.indirect.gather [hbm4b:s3+s10], $0x80, s19, s10, $0xb8;
	[tilespmem:$0x5C00] =	vst v63  }
0x1f: {  	s18 =	sadd.s32 $0x500, s18  }
0x20: {  	[hbm4b:s18+s2] =	stream.linear.scatter [tilespmem:s13], [sflag:$0x3], $0x2800, $0x38;
	[tilespmem:$0x5C00] =	vst v63  }
0x21: {  	_ =	swait.ge [sflag:s9], $0x2800  }
0x22: {  	s18 =	simm.s32 $0xA00;
	[sflag:s9] =	ssyncset.done $0x0  }
.LBB2_2:
0x23: {  	p0 =	sne.s32 s18, $0x5000;
	[sflag:s9] =	ssyncadd.s32 $0xFFFFD800;
	s17 =	sadd.s32 $0x100, s17  }
0x24: {  	s19 =	smov.u32 s18;
	s18 =	sadd.s32 $0xA00, s18  }
0x25: {  	_ =	swait.ge [sflag:s12], $0x2800  }
0x26: {  	[sflag:s12] =	ssyncset.done $0x0  }
0x27: {  	[sflag:s12] =	ssyncadd.s32 $0xFFFFD800  }
0x28: {  	[tilespmem:s13], [sflag:$0x2] =	stream.indirect.gather [hbm4b:s3+s10], $0x80, s17, s10, $0xb8;
	[tilespmem:$0x5C00] =	vst v63  }
0x29: {  	s19 =	sadd.s32 s19, s8  }
0x2a: {  	[hbm4b:s19+s2] =	stream.linear.scatter [tilespmem:s11], [sflag:$0x3], $0x2800, $0x38;
	[tilespmem:$0x5C00] =	vst v63  }
0x2b: {  	_ =	swait.ge [sflag:s9], $0x2800  }
0x2c: {  	[sflag:s9] =	ssyncset.done $0x0  }
0x2d: {  	[sflag:s9] =	ssyncadd.s32 $0xFFFFD800  }
0x2e: {  	_ =	swait.ge [sflag:s14], $0x2800  }
0x2f: {  	[sflag:s14] =	ssyncset.done $0x0  }
0x30: {  	s20 =	sadd.s32 $0x80, s17;
	[sflag:s14] =	ssyncadd.s32 $0xFFFFD800  }
0x31: {  	[tilespmem:s11], [sflag:$0x1] =	stream.indirect.gather [hbm4b:s3+s10], $0x80, s20, s10, $0xb8;
	[tilespmem:$0x5C00] =	vst v63  }
.Ltmp0:
0x32: {  	_ = 	snop;
	(pc) =	sbr.rel @p0 .LBB2_2-.Ltmp0, $4  }
0x33: {  	s19 =	sadd.s32 $0x500, s19  }
0x34: {  	[hbm4b:s19+s2] =	stream.linear.scatter [tilespmem:s13], [sflag:$0x3], $0x2800, $0x38;
	[tilespmem:$0x5C00] =	vst v63  }
0x35: {  	_ =	swait.ge [sflag:s9], $0x2800  }
0x36: {  	[sflag:s9] =	ssyncset.done $0x0  }
0x37: {  	[sflag:s9] =	ssyncadd.s32 $0xFFFFD800  }
0x38: {  	_ =	swait.ge [sflag:s12], $0x2800  }
0x39: {  	[sflag:s12] =	ssyncset.done $0x0  }
0x3a: {  	[sflag:s12] =	ssyncadd.s32 $0xFFFFD800  }
0x3b: {  	[tilespmem:s13], [sflag:$0x2] =	stream.indirect.gather [hbm4b:s3+s10], $0x80, s15, s10, $0xb8;
	[tilespmem:$0x5C00] =	vst v63  }
0x3c: {  	_ = 	snop  }
0x3d: {  	[hbm4b:s6+s2] =	stream.linear.scatter [tilespmem:s11], [sflag:$0x3], $0x2800, $0x38;
	[tilespmem:$0x5C00] =	vst v63  }
0x3e: {  	_ =	swait.ge [sflag:s9], $0x2800  }
0x3f: {  	[sflag:s9] =	ssyncset.done $0x0  }
0x40: {  	[sflag:s9] =	ssyncadd.s32 $0xFFFFD800  }
0x41: {  	s16 =	sadd.s32 $0x1, s16;
	_ =	swait.ge [sflag:s14], $0x2800  }
0x42: {  	p0 =	sne.s32 s16, s5;
	[sflag:s14] =	ssyncset.done $0x0  }
.Ltmp1:
0x43: {  	[sflag:s14] =	ssyncadd.s32 $0xFFFFD800;
	(pc) =	sbr.rel @p0 .LBB2_1-.Ltmp1, $4  }
0x44: {  	[hbm4b:s7+s2] =	stream.linear.scatter [tilespmem:s13], [sflag:$0x3], $0x2800, $0x38;
	[tilespmem:$0x5C00] =	vst v63  }
0x45: {  	_ =	swait.ge [sflag:s9], $0x2800  }
0x46: {  	[sflag:s9] =	ssyncset.done $0x0  }
0x47: {  	[sflag:s9] =	ssyncadd.s32 $0xFFFFD800  }
0x48: {  	_ =	sfence.sel $0x180000  }
0x49: {  	[bflag:$0x0] =	sbarrier.arrive $0xFFFF  }
0x4a: {  	p0 =	sne.s32 s0, $0x0;
	_ =	strace $0x9000004A  }
0x4b: {  	s0 =	sadd.s32 @!p0 $0x100000, s1;
	[bflag:$0x2] =	sbarrier.arrive $0xFFFF  }
0x4c: {  	[sflag:s0] =	ssyncadd.tile.s32 @!p0 $0x1;
	_ =	shalt  }
.Lfunc_end2:
_tile_overlayer_lowered:
.L_overlay_start_2:
0x4d: {  	(tag) =	ssettag $0x2  }
0x4e: {  	s0 =	rddreg [dreg:$0x0];
	s2 =	stileid.u32  }
0x4f: {  	s1 =	rddreg [dreg:$0x1];
	p0 =	sne.s32 s2, $0x0  }
0x50: {  	s3 =	rddreg [dreg:$0x2];
	[bflag:$0x3] =	sbarrier.arrive $0xFFFF;
	s2 =	simm.s32 @!p0 $0x1C03  }
0x51: {  	[timem:s3], [sflag:s2] =	dma.local @!p0 [hbm:s0], s1  }
0x52: {  	s0 =	simm.s32 @!p0 $0x3  }
0x53: {  	_ =	swait.ge @!p0 [sflag:s0], s1  }
0x54: {  	s1 =	ssub.s32 @!p0 $0x0, s1;
	[sflag:s0] =	ssyncset.done @!p0 $0x0  }
0x55: {  	[sflag:s0] =	ssyncadd.s32 @!p0 s1  }
0x56: {  	[bflag:$0x3] =	sbarrier.arrive $0xFFFF  }
0x57: {  	_ =	shalt  }

// kernel: kernel.17.cloned.1.call-start
scs
__scs_entry_jumppad:
0x0: {  	(pc) =	sbr.rel $0x88, $3  }
0x1: {  	(tag) =	ssettag $0x0;
	lr =	simm.s32 $0x1  }
0x2: {  	[smem:$0x3F99] =	sst lr;
	_ =	strace $0xD0000000  }
0x3: {  	_ = 	snop  }
0x4: {  	_ = 	snop  }
0x5: {  	_ = 	snop  }
0x6: {  	_ = 	snop  }
0x7: {  	_ = 	snop  }
__scs_overlays_trampoline_lowered:
0x8: {  	[smem:$0x3FA8] =	sst s0  }
0x9: {  	[smem:$0x3FA9] =	sst s1  }
0xa: {  	[smem:$0x3FAA] =	sst s2  }
0xb: {  	[smem:$0x3FAB] =	sst s3  }
0xc: {  	[smem:$0x3FAC] =	sst s4  }
0xd: {  	[smem:$0x3FAD] =	sst s5  }
0xe: {  	[smem:$0x3FAE] =	sst s6  }
0xf: {  	[smem:$0x3FAF] =	sst s7  }
0x10: {  	[smem:$0x3FB0] =	sst s8  }
0x11: {  	[smem:$0x3FB1] =	sst s9;
	s0 =	simm.s32 @!p0 $0x0  }
0x12: {  	s1 =	sld [smem:$0x3F97];
	s0 =	simm.s32 @p0 $0x1  }
0x13: {  	[smem:$0x3FB2] =	sst s0;
	s0 =	simm.s32 @!p1 $0x0  }
0x14: {  	s2 =	sld [smem:$0x3F96];
	s0 =	simm.s32 @p1 $0x1  }
0x15: {  	[smem:$0x3FB3] =	sst s0;
	s0 =	simm.s32 @!p2 $0x0  }
0x16: {  	s3 =	sld [smem:$0x3FDB];
	s0 =	simm.s32 @p2 $0x1  }
0x17: {  	s4 =	simm.s32 $0x1BF5;
	[smem:$0x3FB5] =	sst s0  }
0x18: {  	s0 =	sld [smem:$0x3F98];
	_ =	swait.ge [sflag:s4], $0x0  }
0x19: {  	s7 =	sld [smem:$0x3F99]  }
0x1a: {  	s8 =	sadd.s32 $0xFFFFE003, lr  }
0x1b: {  	s9 =	sadd.s32 $0xFFFFFEF7, lr;
	s5 =	simm.s32 $0xFFFFFFFF;
	p2 =	slt.u32 s8, $0xFFFFF086  }
0x1c: {  	p1 =	slt.u32 s9, $0xF7A;
	s5 =	simm.s32 @!p2 $0x0  }
0x1d: {  	s5 =	simm.s32 @p1 $0x1;
	p0 =	seq.s32 s7, s2  }
0x1e: {  	s7 =	smul.u32 @!p0 $0xF7A, s2;
	p2 =	seq.s32 @!p0 s5, $0x0  }
0x1f: {  	s9 =	smul.u32 $0xF7A, s1;
	s8 =	simm.s32 @!p0 $0x1BF5;
	p2 =	por !p2, p0  }
0x20: {  	[sflag:s8] =	ssyncset.s32 @!p0 $0xFFFFF086;
	s6 =	sadd.s32 @!p0 s3, s7;
	s7 =	simm.s32 @!p0 $0x108  }
0x21: {  	s3 =	sadd.s32 s3, s9;
	s6 =	sadd.s32 @!p0 $0x88, s6;
	s7 =	simm.s32 @p2 $0x1082  }
0x22: {  	[simem:s7], [sflag:s8] =	dma.local @!p0 [hbm:s6], $0xF7A  }
0x23: {  	s9 =	sor.u32 $0xD0000000, s2;
	s6 =	simm.s32 $0x108;
	_ =	swait.ge @!p0 [sflag:s8], $0x0  }
0x24: {  	s3 =	sadd.s32 $0x88, s3;
	s6 =	simm.s32 @!p1 $0x1082;
	[sflag:s4] =	ssyncset.s32 $0xFFFFF086  }
0x25: {  	[simem:s6], [sflag:s4] =	dma.local [hbm:s3], $0xF7A  }
0x26: {  	[smem:$0x3F99] =	sst s1;
	(tag) =	ssettag s2;
	_ =	strace s9  }
0x27: {  	s1 =	sld [smem:$0x3FA9]  }
0x28: {  	s2 =	sld [smem:$0x3FAA]  }
0x29: {  	s4 =	sld [smem:$0x3FAC]  }
0x2a: {  	p0 =	seq.s32 s5, $0x0;
	s5 =	sld [smem:$0x3FAD]  }
0x2b: {  	s6 =	sld [smem:$0x3FAE]  }
0x2c: {  	s7 =	sld [smem:$0x3FAF]  }
0x2d: {  	s3 =	simm.s32 $0x108;
	s8 =	sld [smem:$0x3FB0]  }
0x2e: {  	s3 =	simm.s32 @!p0 $0x1082;
	s9 =	sld [smem:$0x3FB1]  }
0x2f: {  	lr =	sadd.s32 s0, s3;
	s0 =	sld [smem:$0x3FA8]  }
0x30: {  	s3 =	sld [smem:$0x3FAB]  }
0x31: {  	[smem:$0x3FB4] =	sst s10  }
0x32: {  	s10 =	sld [smem:$0x3FB2];
	_ =	sdelay $0x3  }
0x33: {  	p0 =	seq.s32 s10, $0x1;
	s10 =	sld [smem:$0x3FB4];
	_ =	sdelay $0x3  }
0x34: {  	[smem:$0x3FB4] =	sst s10  }
0x35: {  	s10 =	sld [smem:$0x3FB3];
	_ =	sdelay $0x3  }
0x36: {  	p1 =	seq.s32 s10, $0x1;
	s10 =	sld [smem:$0x3FB4];
	_ =	sdelay $0x3  }
0x37: {  	[smem:$0x3FB4] =	sst s10  }
0x38: {  	s10 =	sld [smem:$0x3FB5]  }
0x39: {  	_ = 	snop;
	(pc) =	sbr.ind lr, $3  }
0x3a: {  	_ = 	snop  }
0x3b: {  	_ = 	snop  }
0x3c: {  	p2 =	seq.s32 s10, $0x1;
	s10 =	sld [smem:$0x3FB4]  }
0x3d: {  	_ =	shalt  }
0x3e: {  	_ =	shalt  }
0x3f: {  	_ =	shalt  }
0x40: {  	_ =	shalt  }
0x41: {  	_ =	shalt  }
0x42: {  	_ =	shalt  }
0x43: {  	_ =	shalt  }
0x44: {  	_ =	shalt  }
0x45: {  	_ =	shalt  }
0x46: {  	_ =	shalt  }
0x47: {  	_ =	shalt  }
0x48: {  	_ =	shalt  }
0x49: {  	_ =	shalt  }
0x4a: {  	_ =	shalt  }
0x4b: {  	_ =	shalt  }
0x4c: {  	_ =	shalt  }
0x4d: {  	_ =	shalt  }
0x4e: {  	_ =	shalt  }
0x4f: {  	_ =	shalt  }
0x50: {  	_ =	shalt  }
0x51: {  	_ =	shalt  }
0x52: {  	_ =	shalt  }
0x53: {  	_ =	shalt  }
0x54: {  	_ =	shalt  }
0x55: {  	_ =	shalt  }
0x56: {  	_ =	shalt  }
0x57: {  	_ =	shalt  }
0x58: {  	_ =	shalt  }
0x59: {  	_ =	shalt  }
0x5a: {  	_ =	shalt  }
0x5b: {  	_ =	shalt  }
0x5c: {  	_ =	shalt  }
0x5d: {  	_ =	shalt  }
0x5e: {  	_ =	shalt  }
0x5f: {  	_ =	shalt  }
0x60: {  	_ =	shalt  }
0x61: {  	_ =	shalt  }
0x62: {  	_ =	shalt  }
0x63: {  	_ =	shalt  }
0x64: {  	_ =	shalt  }
0x65: {  	_ =	shalt  }
0x66: {  	_ =	shalt  }
0x67: {  	_ =	shalt  }
0x68: {  	_ =	shalt  }
0x69: {  	_ =	shalt  }
0x6a: {  	_ =	shalt  }
0x6b: {  	_ =	shalt  }
0x6c: {  	_ =	shalt  }
0x6d: {  	_ =	shalt  }
0x6e: {  	_ =	shalt  }
0x6f: {  	_ =	shalt  }
0x70: {  	_ =	shalt  }
0x71: {  	_ =	shalt  }
0x72: {  	_ =	shalt  }
0x73: {  	_ =	shalt  }
0x74: {  	_ =	shalt  }
0x75: {  	_ =	shalt  }
0x76: {  	_ =	shalt  }
0x77: {  	_ =	shalt  }
0x78: {  	_ =	shalt  }
0x79: {  	_ =	shalt  }
0x7a: {  	_ =	shalt  }
0x7b: {  	_ =	shalt  }
0x7c: {  	_ =	shalt  }
0x7d: {  	_ =	shalt  }
0x7e: {  	_ =	shalt  }
0x7f: {  	_ =	shalt  }
0x80: {  	_ =	shalt  }
0x81: {  	_ =	shalt  }
0x82: {  	_ =	shalt  }
0x83: {  	_ =	shalt  }
0x84: {  	_ =	shalt  }
0x85: {  	_ =	shalt  }
0x86: {  	_ =	shalt  }
0x87: {  	_ =	shalt  }
.Lfunc_end0:
.L_simem_size_0:
called_computation.2_lowered:
.L_overlay_start_0:
0x88: {  	s2 =	sld [smem:$0x3FD9]  }
0x89: {  	s3 =	sld [smem:$0x3FFE];
	_ =	sdelay $0x1  }
0x8a: {  	s1 =	srdreg.scid  }
0x8b: {  	s0 =	sand.u32 $0x1, s1  }
0x8c: {  	s17 =	sshll.u32 s0, $0xA;
	s2 =	sadd.s32 s3, s2  }
0x8d: {  	s2 =	sadd.s32 s2, s17  }
0x8e: {  	[smem:$0x3FC0] =	sst s2  }
0x8f: {  	_ = 	snop  }
0x90: {  	(tm) =	ssettm $0x1  }
0x91: {  	s18 =	sld [smem:$0x3FFB];
	_ =	sdelay $0x3  }
0x92: {  	_ =	strace s18  }
0x93: {  	s2 =	sld [smem:$0x3FFC];
	_ =	sdelay $0x3  }
0x94: {  	_ =	strace s2  }
0x95: {  	s2 =	sld [smem:$0x3FFD];
	_ =	sdelay $0x3  }
0x96: {  	_ =	strace s2  }
0x97: {  	_ =	strace $0x8FFFFFFF  }
0x98: {  	s19 =	sld [smem:$0x3FDB];
	_ =	sdelay $0x1  }
0x99: {  	s20 =	simm.s32 $_scs_section_size  }
0x9a: {  	s4 =	simm.s32 $_size__tile_overlayer_lowered;
	s5 =	simm.s32 $_tile_overlayer_lowered  }
0x9b: {  	s6 =	simm.s32 $0x1BFF;
	s21 =	sshll.u32 s5, $0x1;
	s3 =	sadd.s32 s20, s19  }
0x9c: {  	s22 =	simm.s32 $0x0;
	s4 =	sshll.u32 s4, $0x1;
	s5 =	sadd.s32 s21, s3  }
0x9d: {  	[timem:s22], [sflag:s6] =	dma.local [hbm:s5], s4  }
0x9e: {  	_ =	swait.ge [sflag:s6], s4  }
0x9f: {  	s4 =	ssub.s32 $0x0, s4;
	[sflag:s6] =	ssyncset.done $0x0  }
0xa0: {  	[sflag:s6] =	ssyncadd.s32 s4;
	_ =	sdelay $0x1  }
0xa1: {  	s23 =	simm.s32 $0x1B8B  }
0xa2: {  	_ =	swait.ge [sflag:s23], $0x1  }
0xa3: {  	[sflag:s23] =	ssyncset.done $0x0  }
0xa4: {  	[sflag:s23] =	ssyncadd.s32 $0xFFFFFFFF  }
0xa5: {  	s4 =	sld [smem:$0x0]  }
0xa6: {  	s5 =	sand.u32 $0xFFFFFFFE, s1  }
0xa7: {  	p0 =	sne.s32 s1, s5  }
0xa8: {  	s5 =	sshll.u32 @p0 s5, $0xE  }
0xa9: {  	s5 =	sadd.s32 @p0 $0x11B8D, s5;
	s6 =	sshll.u32 @p0 s4, $0x11  }
0xaa: {  	s5 =	sor.u32 @p0 s6, s5  }
0xab: {  	[sflag:s5] =	ssyncadd.remote.s32 @p0 $0x1;
	_ =	sdelay $0x1  }
0xac: {  	s5 =	simm.s32 @p0 $0x1B8D  }
0xad: {  	_ =	swait.eq @p0 [sflag:s5], $0x1  }
0xae: {  	[sflag:s5] =	ssyncadd.s32 @p0 $0xFFFFFFFF  }
0xaf: {  	s6 =	sshll.u32 @!p0 s1, $0xE  }
0xb0: {  	s6 =	sor.u32 @!p0 $0x4000, s6;
	s5 =	simm.s32 @!p0 $0x1B8D  }
0xb1: {  	s4 =	sshll.u32 @!p0 s4, $0x11;
	s6 =	sadd.s32 @!p0 $0x11B8D, s6;
	_ =	swait.eq @!p0 [sflag:s5], $0x1  }
0xb2: {  	s4 =	sor.u32 @!p0 s4, s6;
	[sflag:s5] =	ssyncadd.s32 @!p0 $0xFFFFFFFF  }
0xb3: {  	s25 =	simm.s32 $0x1B8E;
	s24 =	sld [smem:$0x3FFE];
	[sflag:s4] =	ssyncadd.remote.s32 @!p0 $0x1  }
0xb4: {  	s26 =	simm.s32 $execute0_lowered;
	[smem:$0x3FD2] =	sst s25  }
0xb5: {  	s5 =	sshll.u32 s26, $0x1;
	_ =	strace $0x8000004C;
	[dreg:$0x1] =	wrdreg $0xFFFFFFFF  }
0xb6: {  	s28 =	simm.s32 $_size_execute0_lowered;
	s3 =	sadd.s32 s3, s5;
	[dreg:$0x0] =	wrdreg $0x0  }
0xb7: {  	s5 =	sshll.u32 s28, $0x1;
	[dreg:$0x2] =	wrdreg s3  }
0xb8: {  	[dreg:$0x3] =	wrdreg s5  }
0xb9: {  	[dreg:$0x4] =	wrdreg $0xC0  }
0xba: {  	_ =	task [dreg:s22], $0x5FFFF  }
0xbb: {  	[dreg:$0x1] =	wrdreg $0xFFFFFFFF  }
0xbc: {  	[dreg:$0x0] =	wrdreg $0x60  }
0xbd: {  	[dreg:$0x2] =	wrdreg s24  }
0xbe: {  	[dreg:$0x3] =	wrdreg $0xB  }
0xbf: {  	_ =	task.clear_ibuf [dreg:s22], $0x4FFFF;
	_ =	strace $0x9000004C  }
0xc0: {  	s29 =	simm.s32 $0xB;
	_ =	strace $0x8000004E  }
0xc1: {  	_ =	swait.ge [sflag:s29], $0x1  }
0xc2: {  	[sflag:s29] =	ssyncadd.s32 $0xFFFFFFFF  }
0xc3: {  	_ =	strace $0x9000004E  }
0xc4: {  	_ =	sfence  }
0xc5: {  	s30 =	sld [smem:$0x0];
	_ =	sdelay $0x2  }
0xc6: {  	s31 =	sshll.u32 s1, $0xD;
	s1 =	sshrl.u32 s1, $0x2  }
0xc7: {  	s4 =	sand.u32 $0x4000, s31;
	s1 =	sadd.s32 s1, s30  }
0xc8: {  	s0 =	sor.u32 s4, s0;
	s1 =	sshll.u32 s1, $0x11  }
0xc9: {  	s0 =	sor.u32 s1, s0  }
0xca: {  	s0 =	sadd.s32 $0x8F2B, s0  }
0xcb: {  	[sflag:s0] =	ssyncadd.remote.s32 $0x1  }
0xcc: {  	_ =	sfence.sel $0xFFFF  }
0xcd: {  	[dreg:$0x0] =	wrdreg $0xFFFFFFFF;
	(pc) =	sbr.abs _section_cstart, $3  }
0xce: {  	[dreg:$0x1] =	wrdreg $0xFFFFFFFF  }
0xcf: {  	_ =	task.clear_ibuf [dreg:s22], $0x2FFFF;
	_ =	strace $0x9FFFFFFF  }
0xd0: {  	(tm) =	ssettm $0x7FFFFFFF  }
0xd1: {  	_ =	shalt  }
tec
execute0_lowered:
.L_overlay_start_1:
0x0: {  	(tag) =	ssettag $0x1  }
0x1: {  	s1 =	srdreg.scid;
	s0 =	stileid.u32  }
0x2: {  	s4 =	rddreg [dreg:$0x0];
	s2 =	simm.s32 $0x0;
	s11 =	simm.s32 $0xC00  }
0x3: {  	s12 =	simm.s32 $0x1;
	s13 =	simm.s32 $0x3400;
	s14 =	simm.s32 $0x2  }
0x4: {  	s15 =	simm.s32 $0x980;
	s6 =	sand.u32 $0x1, s1;
	s1 =	rddreg [dreg:$0x1]  }
0x5: {  	s16 =	simm.s32 $0x0;
	s3 =	sshll.u32 s0, $0x1;
	[smem:$0x7FF] =	sst s2  }
0x6: {  	s9 =	sadd.s32 $0x210E00, s4;
	s29 =	smul.u32 $0xC800, s0;
	s5 =	sor.u32 s6, s3  }
0x7: {  	_ =	strace $0x8000004D;
	s8 =	ssub.s32 $0x2, s6;
	s7 =	smul.u32 $0x180, s5  }
0x8: {  	s3 =	sadd.s32 $0x5A00, s4;
	s26 =	sshrl.u32 s8, $0x1;
	s10 =	smul.u32 $0x6400, s5  }
0x9: {  	s31 =	smul.u32 $0x6400, s6;
	s28 =	ssub.s32 s8, s26;
	s8 =	sadd.s32 s29, s9  }
0xa: {  	s7 =	sadd.s32 s7, s4;
	s5 =	smax.u32 s28, $0x1;
	s30 =	sadd.s32 s9, s10  }
0xb: {  	s8 =	sadd.s32 s31, s8;
	s9 =	simm.s32 $0x3;
	s10 =	simm.s32 $0x50  }
0xc: {  	s4 =	sadd.s32 $0x20DE00, s7;
	s6 =	sadd.s32 $0x5A00, s30;
	s7 =	sadd.s32 $0x5F00, s30  }
.LBB2_1:
0xd: {  	[tilespmem:s2], [sflag:$0x3] =	stream.linear.gather [hbm4b:s4+s2], $0xA00, $0x38;
	[tilespmem:$0x5C00] =	vst v63  }
0xe: {  	_ =	swait.ge [sflag:s9], $0xA00  }
0xf: {  	[sflag:s9] =	ssyncset.done $0x0  }
0x10: {  	[sflag:s9] =	ssyncadd.s32 $0xFFFFF600  }
0x11: {  	[tilespmem:s11], [sflag:$0x1] =	stream.indirect.gather [hbm4b:s3+s10], $0x80, s2, s10, $0xb8;
	[tilespmem:$0x5C00] =	vst v63  }
0x12: {  	_ =	swait.ge [sflag:s12], $0x2800  }
0x13: {  	[sflag:s12] =	ssyncset.done $0x0  }
0x14: {  	s17 =	simm.s32 $0x80;
	[sflag:s12] =	ssyncadd.s32 $0xFFFFD800  }
0x15: {  	[tilespmem:s13], [sflag:$0x2] =	stream.indirect.gather [hbm4b:s3+s10], $0x80, s17, s10, $0xb8;
	[tilespmem:$0x5C00] =	vst v63  }
0x16: {  	s18 =	sadd.s32 $0x0, s8  }
0x17: {  	[hbm4b:s18+s2] =	stream.linear.scatter [tilespmem:s11], [sflag:$0x3], $0x2800, $0x38;
	[tilespmem:$0x5C00] =	vst v63  }
0x18: {  	_ =	swait.ge [sflag:s9], $0x2800  }
0x19: {  	[sflag:s9] =	ssyncset.done $0x0  }
0x1a: {  	[sflag:s9] =	ssyncadd.s32 $0xFFFFD800  }
0x1b: {  	_ =	swait.ge [sflag:s14], $0x2800  }
0x1c: {  	[sflag:s14] =	ssyncset.done $0x0  }
0x1d: {  	s19 =	simm.s32 $0x100;
	[sflag:s14] =	ssyncadd.s32 $0xFFFFD800  }
0x1e: {  	[tilespmem:s11], [sflag:$0x1] =	stream.indirect.gather [hbm4b:s3+s10], $0x80, s19, s10, $0xb8;
	[tilespmem:$0x5C00] =	vst v63  }
0x1f: {  	s18 =	sadd.s32 $0x500, s18  }
0x20: {  	[hbm4b:s18+s2] =	stream.linear.scatter [tilespmem:s13], [sflag:$0x3], $0x2800, $0x38;
	[tilespmem:$0x5C00] =	vst v63  }
0x21: {  	_ =	swait.ge [sflag:s9], $0x2800  }
0x22: {  	s18 =	simm.s32 $0xA00;
	[sflag:s9] =	ssyncset.done $0x0  }
.LBB2_2:
0x23: {  	p0 =	sne.s32 s18, $0x5000;
	[sflag:s9] =	ssyncadd.s32 $0xFFFFD800;
	s17 =	sadd.s32 $0x100, s17  }
0x24: {  	s19 =	smov.u32 s18;
	s18 =	sadd.s32 $0xA00, s18  }
0x25: {  	_ =	swait.ge [sflag:s12], $0x2800  }
0x26: {  	[sflag:s12] =	ssyncset.done $0x0  }
0x27: {  	[sflag:s12] =	ssyncadd.s32 $0xFFFFD800  }
0x28: {  	[tilespmem:s13], [sflag:$0x2] =	stream.indirect.gather [hbm4b:s3+s10], $0x80, s17, s10, $0xb8;
	[tilespmem:$0x5C00] =	vst v63  }
0x29: {  	s19 =	sadd.s32 s19, s8  }
0x2a: {  	[hbm4b:s19+s2] =	stream.linear.scatter [tilespmem:s11], [sflag:$0x3], $0x2800, $0x38;
	[tilespmem:$0x5C00] =	vst v63  }
0x2b: {  	_ =	swait.ge [sflag:s9], $0x2800  }
0x2c: {  	[sflag:s9] =	ssyncset.done $0x0  }
0x2d: {  	[sflag:s9] =	ssyncadd.s32 $0xFFFFD800  }
0x2e: {  	_ =	swait.ge [sflag:s14], $0x2800  }
0x2f: {  	[sflag:s14] =	ssyncset.done $0x0  }
0x30: {  	s20 =	sadd.s32 $0x80, s17;
	[sflag:s14] =	ssyncadd.s32 $0xFFFFD800  }
0x31: {  	[tilespmem:s11], [sflag:$0x1] =	stream.indirect.gather [hbm4b:s3+s10], $0x80, s20, s10, $0xb8;
	[tilespmem:$0x5C00] =	vst v63  }
.Ltmp0:
0x32: {  	_ = 	snop;
	(pc) =	sbr.rel @p0 .LBB2_2-.Ltmp0, $4  }
0x33: {  	s19 =	sadd.s32 $0x500, s19  }
0x34: {  	[hbm4b:s19+s2] =	stream.linear.scatter [tilespmem:s13], [sflag:$0x3], $0x2800, $0x38;
	[tilespmem:$0x5C00] =	vst v63  }
0x35: {  	_ =	swait.ge [sflag:s9], $0x2800  }
0x36: {  	[sflag:s9] =	ssyncset.done $0x0  }
0x37: {  	[sflag:s9] =	ssyncadd.s32 $0xFFFFD800  }
0x38: {  	_ =	swait.ge [sflag:s12], $0x2800  }
0x39: {  	[sflag:s12] =	ssyncset.done $0x0  }
0x3a: {  	[sflag:s12] =	ssyncadd.s32 $0xFFFFD800  }
0x3b: {  	[tilespmem:s13], [sflag:$0x2] =	stream.indirect.gather [hbm4b:s3+s10], $0x80, s15, s10, $0xb8;
	[tilespmem:$0x5C00] =	vst v63  }
0x3c: {  	_ = 	snop  }
0x3d: {  	[hbm4b:s6+s2] =	stream.linear.scatter [tilespmem:s11], [sflag:$0x3], $0x2800, $0x38;
	[tilespmem:$0x5C00] =	vst v63  }
0x3e: {  	_ =	swait.ge [sflag:s9], $0x2800  }
0x3f: {  	[sflag:s9] =	ssyncset.done $0x0  }
0x40: {  	[sflag:s9] =	ssyncadd.s32 $0xFFFFD800  }
0x41: {  	s16 =	sadd.s32 $0x1, s16;
	_ =	swait.ge [sflag:s14], $0x2800  }
0x42: {  	p0 =	sne.s32 s16, s5;
	[sflag:s14] =	ssyncset.done $0x0  }
.Ltmp1:
0x43: {  	[sflag:s14] =	ssyncadd.s32 $0xFFFFD800;
	(pc) =	sbr.rel @p0 .LBB2_1-.Ltmp1, $4  }
0x44: {  	[hbm4b:s7+s2] =	stream.linear.scatter [tilespmem:s13], [sflag:$0x3], $0x2800, $0x38;
	[tilespmem:$0x5C00] =	vst v63  }
0x45: {  	_ =	swait.ge [sflag:s9], $0x2800  }
0x46: {  	[sflag:s9] =	ssyncset.done $0x0  }
0x47: {  	[sflag:s9] =	ssyncadd.s32 $0xFFFFD800  }
0x48: {  	_ =	sfence.sel $0x180000  }
0x49: {  	[bflag:$0x0] =	sbarrier.arrive $0xFFFF  }
0x4a: {  	p0 =	sne.s32 s0, $0x0;
	_ =	strace $0x9000004D  }
0x4b: {  	s0 =	sadd.s32 @!p0 $0x100000, s1;
	[bflag:$0x2] =	sbarrier.arrive $0xFFFF  }
0x4c: {  	[sflag:s0] =	ssyncadd.tile.s32 @!p0 $0x1;
	_ =	shalt  }
.Lfunc_end2:
_tile_overlayer_lowered:
.L_overlay_start_2:
0x4d: {  	(tag) =	ssettag $0x2  }
0x4e: {  	s0 =	rddreg [dreg:$0x0];
	s2 =	stileid.u32  }
0x4f: {  	s1 =	rddreg [dreg:$0x1];
	p0 =	sne.s32 s2, $0x0  }
0x50: {  	s3 =	rddreg [dreg:$0x2];
	[bflag:$0x3] =	sbarrier.arrive $0xFFFF;
	s2 =	simm.s32 @!p0 $0x1C03  }
0x51: {  	[timem:s3], [sflag:s2] =	dma.local @!p0 [hbm:s0], s1  }
0x52: {  	s0 =	simm.s32 @!p0 $0x3  }
0x53: {  	_ =	swait.ge @!p0 [sflag:s0], s1  }
0x54: {  	s1 =	ssub.s32 @!p0 $0x0, s1;
	[sflag:s0] =	ssyncset.done @!p0 $0x0  }
0x55: {  	[sflag:s0] =	ssyncadd.s32 @!p0 s1  }
0x56: {  	[bflag:$0x3] =	sbarrier.arrive $0xFFFF  }
0x57: {  	_ =	shalt  }

// kernel: kernel.20.cloned.1.call-start
scs
__scs_entry_jumppad:
0x0: {  	(pc) =	sbr.rel $0x88, $3  }
0x1: {  	(tag) =	ssettag $0x0;
	lr =	simm.s32 $0x1  }
0x2: {  	[smem:$0x3F99] =	sst lr;
	_ =	strace $0xD0000000  }
0x3: {  	_ = 	snop  }
0x4: {  	_ = 	snop  }
0x5: {  	_ = 	snop  }
0x6: {  	_ = 	snop  }
0x7: {  	_ = 	snop  }
__scs_overlays_trampoline_lowered:
0x8: {  	[smem:$0x3FA8] =	sst s0  }
0x9: {  	[smem:$0x3FA9] =	sst s1  }
0xa: {  	[smem:$0x3FAA] =	sst s2  }
0xb: {  	[smem:$0x3FAB] =	sst s3  }
0xc: {  	[smem:$0x3FAC] =	sst s4  }
0xd: {  	[smem:$0x3FAD] =	sst s5  }
0xe: {  	[smem:$0x3FAE] =	sst s6  }
0xf: {  	[smem:$0x3FAF] =	sst s7  }
0x10: {  	[smem:$0x3FB0] =	sst s8  }
0x11: {  	[smem:$0x3FB1] =	sst s9;
	s0 =	simm.s32 @!p0 $0x0  }
0x12: {  	s1 =	sld [smem:$0x3F97];
	s0 =	simm.s32 @p0 $0x1  }
0x13: {  	[smem:$0x3FB2] =	sst s0;
	s0 =	simm.s32 @!p1 $0x0  }
0x14: {  	s2 =	sld [smem:$0x3F96];
	s0 =	simm.s32 @p1 $0x1  }
0x15: {  	[smem:$0x3FB3] =	sst s0;
	s0 =	simm.s32 @!p2 $0x0  }
0x16: {  	s3 =	sld [smem:$0x3FDB];
	s0 =	simm.s32 @p2 $0x1  }
0x17: {  	s4 =	simm.s32 $0x1BF5;
	[smem:$0x3FB5] =	sst s0  }
0x18: {  	s0 =	sld [smem:$0x3F98];
	_ =	swait.ge [sflag:s4], $0x0  }
0x19: {  	s7 =	sld [smem:$0x3F99]  }
0x1a: {  	s8 =	sadd.s32 $0xFFFFE003, lr  }
0x1b: {  	s9 =	sadd.s32 $0xFFFFFEF7, lr;
	s5 =	simm.s32 $0xFFFFFFFF;
	p2 =	slt.u32 s8, $0xFFFFF086  }
0x1c: {  	p1 =	slt.u32 s9, $0xF7A;
	s5 =	simm.s32 @!p2 $0x0  }
0x1d: {  	s5 =	simm.s32 @p1 $0x1;
	p0 =	seq.s32 s7, s2  }
0x1e: {  	s7 =	smul.u32 @!p0 $0xF7A, s2;
	p2 =	seq.s32 @!p0 s5, $0x0  }
0x1f: {  	s9 =	smul.u32 $0xF7A, s1;
	s8 =	simm.s32 @!p0 $0x1BF5;
	p2 =	por !p2, p0  }
0x20: {  	[sflag:s8] =	ssyncset.s32 @!p0 $0xFFFFF086;
	s6 =	sadd.s32 @!p0 s3, s7;
	s7 =	simm.s32 @!p0 $0x108  }
0x21: {  	s3 =	sadd.s32 s3, s9;
	s6 =	sadd.s32 @!p0 $0x88, s6;
	s7 =	simm.s32 @p2 $0x1082  }
0x22: {  	[simem:s7], [sflag:s8] =	dma.local @!p0 [hbm:s6], $0xF7A  }
0x23: {  	s9 =	sor.u32 $0xD0000000, s2;
	s6 =	simm.s32 $0x108;
	_ =	swait.ge @!p0 [sflag:s8], $0x0  }
0x24: {  	s3 =	sadd.s32 $0x88, s3;
	s6 =	simm.s32 @!p1 $0x1082;
	[sflag:s4] =	ssyncset.s32 $0xFFFFF086  }
0x25: {  	[simem:s6], [sflag:s4] =	dma.local [hbm:s3], $0xF7A  }
0x26: {  	[smem:$0x3F99] =	sst s1;
	(tag) =	ssettag s2;
	_ =	strace s9  }
0x27: {  	s1 =	sld [smem:$0x3FA9]  }
0x28: {  	s2 =	sld [smem:$0x3FAA]  }
0x29: {  	s4 =	sld [smem:$0x3FAC]  }
0x2a: {  	p0 =	seq.s32 s5, $0x0;
	s5 =	sld [smem:$0x3FAD]  }
0x2b: {  	s6 =	sld [smem:$0x3FAE]  }
0x2c: {  	s7 =	sld [smem:$0x3FAF]  }
0x2d: {  	s3 =	simm.s32 $0x108;
	s8 =	sld [smem:$0x3FB0]  }
0x2e: {  	s3 =	simm.s32 @!p0 $0x1082;
	s9 =	sld [smem:$0x3FB1]  }
0x2f: {  	lr =	sadd.s32 s0, s3;
	s0 =	sld [smem:$0x3FA8]  }
0x30: {  	s3 =	sld [smem:$0x3FAB]  }
0x31: {  	[smem:$0x3FB4] =	sst s10  }
0x32: {  	s10 =	sld [smem:$0x3FB2];
	_ =	sdelay $0x3  }
0x33: {  	p0 =	seq.s32 s10, $0x1;
	s10 =	sld [smem:$0x3FB4];
	_ =	sdelay $0x3  }
0x34: {  	[smem:$0x3FB4] =	sst s10  }
0x35: {  	s10 =	sld [smem:$0x3FB3];
	_ =	sdelay $0x3  }
0x36: {  	p1 =	seq.s32 s10, $0x1;
	s10 =	sld [smem:$0x3FB4];
	_ =	sdelay $0x3  }
0x37: {  	[smem:$0x3FB4] =	sst s10  }
0x38: {  	s10 =	sld [smem:$0x3FB5]  }
0x39: {  	_ = 	snop;
	(pc) =	sbr.ind lr, $3  }
0x3a: {  	_ = 	snop  }
0x3b: {  	_ = 	snop  }
0x3c: {  	p2 =	seq.s32 s10, $0x1;
	s10 =	sld [smem:$0x3FB4]  }
0x3d: {  	_ =	shalt  }
0x3e: {  	_ =	shalt  }
0x3f: {  	_ =	shalt  }
0x40: {  	_ =	shalt  }
0x41: {  	_ =	shalt  }
0x42: {  	_ =	shalt  }
0x43: {  	_ =	shalt  }
0x44: {  	_ =	shalt  }
0x45: {  	_ =	shalt  }
0x46: {  	_ =	shalt  }
0x47: {  	_ =	shalt  }
0x48: {  	_ =	shalt  }
0x49: {  	_ =	shalt  }
0x4a: {  	_ =	shalt  }
0x4b: {  	_ =	shalt  }
0x4c: {  	_ =	shalt  }
0x4d: {  	_ =	shalt  }
0x4e: {  	_ =	shalt  }
0x4f: {  	_ =	shalt  }
0x50: {  	_ =	shalt  }
0x51: {  	_ =	shalt  }
0x52: {  	_ =	shalt  }
0x53: {  	_ =	shalt  }
0x54: {  	_ =	shalt  }
0x55: {  	_ =	shalt  }
0x56: {  	_ =	shalt  }
0x57: {  	_ =	shalt  }
0x58: {  	_ =	shalt  }
0x59: {  	_ =	shalt  }
0x5a: {  	_ =	shalt  }
0x5b: {  	_ =	shalt  }
0x5c: {  	_ =	shalt  }
0x5d: {  	_ =	shalt  }
0x5e: {  	_ =	shalt  }
0x5f: {  	_ =	shalt  }
0x60: {  	_ =	shalt  }
0x61: {  	_ =	shalt  }
0x62: {  	_ =	shalt  }
0x63: {  	_ =	shalt  }
0x64: {  	_ =	shalt  }
0x65: {  	_ =	shalt  }
0x66: {  	_ =	shalt  }
0x67: {  	_ =	shalt  }
0x68: {  	_ =	shalt  }
0x69: {  	_ =	shalt  }
0x6a: {  	_ =	shalt  }
0x6b: {  	_ =	shalt  }
0x6c: {  	_ =	shalt  }
0x6d: {  	_ =	shalt  }
0x6e: {  	_ =	shalt  }
0x6f: {  	_ =	shalt  }
0x70: {  	_ =	shalt  }
0x71: {  	_ =	shalt  }
0x72: {  	_ =	shalt  }
0x73: {  	_ =	shalt  }
0x74: {  	_ =	shalt  }
0x75: {  	_ =	shalt  }
0x76: {  	_ =	shalt  }
0x77: {  	_ =	shalt  }
0x78: {  	_ =	shalt  }
0x79: {  	_ =	shalt  }
0x7a: {  	_ =	shalt  }
0x7b: {  	_ =	shalt  }
0x7c: {  	_ =	shalt  }
0x7d: {  	_ =	shalt  }
0x7e: {  	_ =	shalt  }
0x7f: {  	_ =	shalt  }
0x80: {  	_ =	shalt  }
0x81: {  	_ =	shalt  }
0x82: {  	_ =	shalt  }
0x83: {  	_ =	shalt  }
0x84: {  	_ =	shalt  }
0x85: {  	_ =	shalt  }
0x86: {  	_ =	shalt  }
0x87: {  	_ =	shalt  }
.Lfunc_end0:
.L_simem_size_0:
called_computation.3_lowered:
.L_overlay_start_0:
0x88: {  	s2 =	sld [smem:$0x3FD9]  }
0x89: {  	s3 =	sld [smem:$0x3FFE];
	_ =	sdelay $0x1  }
0x8a: {  	s1 =	srdreg.scid  }
0x8b: {  	s0 =	sand.u32 $0x1, s1  }
0x8c: {  	s17 =	sshll.u32 s0, $0xA;
	s2 =	sadd.s32 s3, s2  }
0x8d: {  	s2 =	sadd.s32 s2, s17  }
0x8e: {  	[smem:$0x3FC0] =	sst s2  }
0x8f: {  	_ = 	snop  }
0x90: {  	(tm) =	ssettm $0x1  }
0x91: {  	s18 =	sld [smem:$0x3FFB];
	_ =	sdelay $0x3  }
0x92: {  	_ =	strace s18  }
0x93: {  	s2 =	sld [smem:$0x3FFC];
	_ =	sdelay $0x3  }
0x94: {  	_ =	strace s2  }
0x95: {  	s2 =	sld [smem:$0x3FFD];
	_ =	sdelay $0x3  }
0x96: {  	_ =	strace s2  }
0x97: {  	_ =	strace $0x8FFFFFFF  }
0x98: {  	s19 =	sld [smem:$0x3FDB];
	_ =	sdelay $0x1  }
0x99: {  	s20 =	simm.s32 $_scs_section_size  }
0x9a: {  	s4 =	simm.s32 $_size__tile_overlayer_lowered;
	s5 =	simm.s32 $_tile_overlayer_lowered  }
0x9b: {  	s6 =	simm.s32 $0x1BFF;
	s21 =	sshll.u32 s5, $0x1;
	s3 =	sadd.s32 s20, s19  }
0x9c: {  	s22 =	simm.s32 $0x0;
	s4 =	sshll.u32 s4, $0x1;
	s5 =	sadd.s32 s21, s3  }
0x9d: {  	[timem:s22], [sflag:s6] =	dma.local [hbm:s5], s4  }
0x9e: {  	_ =	swait.ge [sflag:s6], s4  }
0x9f: {  	s4 =	ssub.s32 $0x0, s4;
	[sflag:s6] =	ssyncset.done $0x0  }
0xa0: {  	[sflag:s6] =	ssyncadd.s32 s4;
	_ =	sdelay $0x1  }
0xa1: {  	s23 =	simm.s32 $0x1B8B  }
0xa2: {  	_ =	swait.ge [sflag:s23], $0x1  }
0xa3: {  	[sflag:s23] =	ssyncset.done $0x0  }
0xa4: {  	[sflag:s23] =	ssyncadd.s32 $0xFFFFFFFF  }
0xa5: {  	s4 =	sld [smem:$0x0]  }
0xa6: {  	s5 =	sand.u32 $0xFFFFFFFE, s1  }
0xa7: {  	p0 =	sne.s32 s1, s5  }
0xa8: {  	s5 =	sshll.u32 @p0 s5, $0xE  }
0xa9: {  	s5 =	sadd.s32 @p0 $0x11B8D, s5;
	s6 =	sshll.u32 @p0 s4, $0x11  }
0xaa: {  	s5 =	sor.u32 @p0 s6, s5  }
0xab: {  	[sflag:s5] =	ssyncadd.remote.s32 @p0 $0x1;
	_ =	sdelay $0x1  }
0xac: {  	s5 =	simm.s32 @p0 $0x1B8D  }
0xad: {  	_ =	swait.eq @p0 [sflag:s5], $0x1  }
0xae: {  	[sflag:s5] =	ssyncadd.s32 @p0 $0xFFFFFFFF  }
0xaf: {  	s6 =	sshll.u32 @!p0 s1, $0xE  }
0xb0: {  	s6 =	sor.u32 @!p0 $0x4000, s6;
	s5 =	simm.s32 @!p0 $0x1B8D  }
0xb1: {  	s4 =	sshll.u32 @!p0 s4, $0x11;
	s6 =	sadd.s32 @!p0 $0x11B8D, s6;
	_ =	swait.eq @!p0 [sflag:s5], $0x1  }
0xb2: {  	s4 =	sor.u32 @!p0 s4, s6;
	[sflag:s5] =	ssyncadd.s32 @!p0 $0xFFFFFFFF  }
0xb3: {  	s25 =	simm.s32 $0x1B8E;
	s24 =	sld [smem:$0x3FFE];
	[sflag:s4] =	ssyncadd.remote.s32 @!p0 $0x1  }
0xb4: {  	s26 =	simm.s32 $execute0_lowered;
	[smem:$0x3FD2] =	sst s25  }
0xb5: {  	s5 =	sshll.u32 s26, $0x1;
	_ =	strace $0x8000004F;
	[dreg:$0x1] =	wrdreg $0xFFFFFFFF  }
0xb6: {  	s28 =	simm.s32 $_size_execute0_lowered;
	s3 =	sadd.s32 s3, s5;
	[dreg:$0x0] =	wrdreg $0x0  }
0xb7: {  	s5 =	sshll.u32 s28, $0x1;
	[dreg:$0x2] =	wrdreg s3  }
0xb8: {  	[dreg:$0x3] =	wrdreg s5  }
0xb9: {  	[dreg:$0x4] =	wrdreg $0xC0  }
0xba: {  	_ =	task [dreg:s22], $0x5FFFF  }
0xbb: {  	[dreg:$0x1] =	wrdreg $0xFFFFFFFF  }
0xbc: {  	[dreg:$0x0] =	wrdreg $0x60  }
0xbd: {  	[dreg:$0x2] =	wrdreg s24  }
0xbe: {  	[dreg:$0x3] =	wrdreg $0xC  }
0xbf: {  	_ =	task.clear_ibuf [dreg:s22], $0x4FFFF;
	_ =	strace $0x9000004F  }
0xc0: {  	s29 =	simm.s32 $0xC;
	_ =	strace $0x80000051  }
0xc1: {  	_ =	swait.ge [sflag:s29], $0x1  }
0xc2: {  	[sflag:s29] =	ssyncadd.s32 $0xFFFFFFFF  }
0xc3: {  	_ =	strace $0x90000051  }
0xc4: {  	_ =	sfence  }
0xc5: {  	s30 =	sld [smem:$0x0];
	_ =	sdelay $0x2  }
0xc6: {  	s31 =	sshll.u32 s1, $0xD;
	s1 =	sshrl.u32 s1, $0x2  }
0xc7: {  	s4 =	sand.u32 $0x4000, s31;
	s1 =	sadd.s32 s1, s30  }
0xc8: {  	s0 =	sor.u32 s4, s0;
	s1 =	sshll.u32 s1, $0x11  }
0xc9: {  	s0 =	sor.u32 s1, s0  }
0xca: {  	s0 =	sadd.s32 $0x8F2B, s0  }
0xcb: {  	[sflag:s0] =	ssyncadd.remote.s32 $0x1  }
0xcc: {  	_ =	sfence.sel $0xFFFF  }
0xcd: {  	[dreg:$0x0] =	wrdreg $0xFFFFFFFF;
	(pc) =	sbr.abs _section_cstart, $3  }
0xce: {  	[dreg:$0x1] =	wrdreg $0xFFFFFFFF  }
0xcf: {  	_ =	task.clear_ibuf [dreg:s22], $0x2FFFF;
	_ =	strace $0x9FFFFFFF  }
0xd0: {  	(tm) =	ssettm $0x7FFFFFFF  }
0xd1: {  	_ =	shalt  }
tec
execute0_lowered:
.L_overlay_start_1:
0x0: {  	(tag) =	ssettag $0x1  }
0x1: {  	s1 =	srdreg.scid;
	s0 =	stileid.u32  }
0x2: {  	s4 =	rddreg [dreg:$0x0];
	s2 =	simm.s32 $0x0;
	s11 =	simm.s32 $0xC00  }
0x3: {  	s12 =	simm.s32 $0x1;
	s13 =	simm.s32 $0x3400;
	s14 =	simm.s32 $0x2  }
0x4: {  	s15 =	simm.s32 $0x980;
	s6 =	sand.u32 $0x1, s1;
	s1 =	rddreg [dreg:$0x1]  }
0x5: {  	s16 =	simm.s32 $0x0;
	s3 =	sshll.u32 s0, $0x1;
	[smem:$0x7FF] =	sst s2  }
0x6: {  	s9 =	sadd.s32 $0x2DBE00, s4;
	s29 =	smul.u32 $0xC800, s0;
	s5 =	sor.u32 s6, s3  }
0x7: {  	_ =	strace $0x80000050;
	s8 =	ssub.s32 $0x2, s6;
	s7 =	smul.u32 $0x180, s5  }
0x8: {  	s3 =	sadd.s32 $0x5A00, s4;
	s26 =	sshrl.u32 s8, $0x1;
	s10 =	smul.u32 $0x6400, s5  }
0x9: {  	s31 =	smul.u32 $0x6400, s6;
	s28 =	ssub.s32 s8, s26;
	s8 =	sadd.s32 s29, s9  }
0xa: {  	s7 =	sadd.s32 s7, s4;
	s5 =	smax.u32 s28, $0x1;
	s30 =	sadd.s32 s9, s10  }
0xb: {  	s8 =	sadd.s32 s31, s8;
	s9 =	simm.s32 $0x3;
	s10 =	simm.s32 $0x50  }
0xc: {  	s4 =	sadd.s32 $0x2D8E00, s7;
	s6 =	sadd.s32 $0x5A00, s30;
	s7 =	sadd.s32 $0x5F00, s30  }
.LBB2_1:
0xd: {  	[tilespmem:s2], [sflag:$0x3] =	stream.linear.gather [hbm4b:s4+s2], $0xA00, $0x38;
	[tilespmem:$0x5C00] =	vst v63  }
0xe: {  	_ =	swait.ge [sflag:s9], $0xA00  }
0xf: {  	[sflag:s9] =	ssyncset.done $0x0  }
0x10: {  	[sflag:s9] =	ssyncadd.s32 $0xFFFFF600  }
0x11: {  	[tilespmem:s11], [sflag:$0x1] =	stream.indirect.gather [hbm4b:s3+s10], $0x80, s2, s10, $0xb8;
	[tilespmem:$0x5C00] =	vst v63  }
0x12: {  	_ =	swait.ge [sflag:s12], $0x2800  }
0x13: {  	[sflag:s12] =	ssyncset.done $0x0  }
0x14: {  	s17 =	simm.s32 $0x80;
	[sflag:s12] =	ssyncadd.s32 $0xFFFFD800  }
0x15: {  	[tilespmem:s13], [sflag:$0x2] =	stream.indirect.gather [hbm4b:s3+s10], $0x80, s17, s10, $0xb8;
	[tilespmem:$0x5C00] =	vst v63  }
0x16: {  	s18 =	sadd.s32 $0x0, s8  }
0x17: {  	[hbm4b:s18+s2] =	stream.linear.scatter [tilespmem:s11], [sflag:$0x3], $0x2800, $0x38;
	[tilespmem:$0x5C00] =	vst v63  }
0x18: {  	_ =	swait.ge [sflag:s9], $0x2800  }
0x19: {  	[sflag:s9] =	ssyncset.done $0x0  }
0x1a: {  	[sflag:s9] =	ssyncadd.s32 $0xFFFFD800  }
0x1b: {  	_ =	swait.ge [sflag:s14], $0x2800  }
0x1c: {  	[sflag:s14] =	ssyncset.done $0x0  }
0x1d: {  	s19 =	simm.s32 $0x100;
	[sflag:s14] =	ssyncadd.s32 $0xFFFFD800  }
0x1e: {  	[tilespmem:s11], [sflag:$0x1] =	stream.indirect.gather [hbm4b:s3+s10], $0x80, s19, s10, $0xb8;
	[tilespmem:$0x5C00] =	vst v63  }
0x1f: {  	s18 =	sadd.s32 $0x500, s18  }
0x20: {  	[hbm4b:s18+s2] =	stream.linear.scatter [tilespmem:s13], [sflag:$0x3], $0x2800, $0x38;
	[tilespmem:$0x5C00] =	vst v63  }
0x21: {  	_ =	swait.ge [sflag:s9], $0x2800  }
0x22: {  	s18 =	simm.s32 $0xA00;
	[sflag:s9] =	ssyncset.done $0x0  }
.LBB2_2:
0x23: {  	p0 =	sne.s32 s18, $0x5000;
	[sflag:s9] =	ssyncadd.s32 $0xFFFFD800;
	s17 =	sadd.s32 $0x100, s17  }
0x24: {  	s19 =	smov.u32 s18;
	s18 =	sadd.s32 $0xA00, s18  }
0x25: {  	_ =	swait.ge [sflag:s12], $0x2800  }
0x26: {  	[sflag:s12] =	ssyncset.done $0x0  }
0x27: {  	[sflag:s12] =	ssyncadd.s32 $0xFFFFD800  }
0x28: {  	[tilespmem:s13], [sflag:$0x2] =	stream.indirect.gather [hbm4b:s3+s10], $0x80, s17, s10, $0xb8;
	[tilespmem:$0x5C00] =	vst v63  }
0x29: {  	s19 =	sadd.s32 s19, s8  }
0x2a: {  	[hbm4b:s19+s2] =	stream.linear.scatter [tilespmem:s11], [sflag:$0x3], $0x2800, $0x38;
	[tilespmem:$0x5C00] =	vst v63  }
0x2b: {  	_ =	swait.ge [sflag:s9], $0x2800  }
0x2c: {  	[sflag:s9] =	ssyncset.done $0x0  }
0x2d: {  	[sflag:s9] =	ssyncadd.s32 $0xFFFFD800  }
0x2e: {  	_ =	swait.ge [sflag:s14], $0x2800  }
0x2f: {  	[sflag:s14] =	ssyncset.done $0x0  }
0x30: {  	s20 =	sadd.s32 $0x80, s17;
	[sflag:s14] =	ssyncadd.s32 $0xFFFFD800  }
0x31: {  	[tilespmem:s11], [sflag:$0x1] =	stream.indirect.gather [hbm4b:s3+s10], $0x80, s20, s10, $0xb8;
	[tilespmem:$0x5C00] =	vst v63  }
.Ltmp0:
0x32: {  	_ = 	snop;
	(pc) =	sbr.rel @p0 .LBB2_2-.Ltmp0, $4  }
0x33: {  	s19 =	sadd.s32 $0x500, s19  }
0x34: {  	[hbm4b:s19+s2] =	stream.linear.scatter [tilespmem:s13], [sflag:$0x3], $0x2800, $0x38;
	[tilespmem:$0x5C00] =	vst v63  }
0x35: {  	_ =	swait.ge [sflag:s9], $0x2800  }
0x36: {  	[sflag:s9] =	ssyncset.done $0x0  }
0x37: {  	[sflag:s9] =	ssyncadd.s32 $0xFFFFD800  }
0x38: {  	_ =	swait.ge [sflag:s12], $0x2800  }
0x39: {  	[sflag:s12] =	ssyncset.done $0x0  }
0x3a: {  	[sflag:s12] =	ssyncadd.s32 $0xFFFFD800  }
0x3b: {  	[tilespmem:s13], [sflag:$0x2] =	stream.indirect.gather [hbm4b:s3+s10], $0x80, s15, s10, $0xb8;
	[tilespmem:$0x5C00] =	vst v63  }
0x3c: {  	_ = 	snop  }
0x3d: {  	[hbm4b:s6+s2] =	stream.linear.scatter [tilespmem:s11], [sflag:$0x3], $0x2800, $0x38;
	[tilespmem:$0x5C00] =	vst v63  }
0x3e: {  	_ =	swait.ge [sflag:s9], $0x2800  }
0x3f: {  	[sflag:s9] =	ssyncset.done $0x0  }
0x40: {  	[sflag:s9] =	ssyncadd.s32 $0xFFFFD800  }
0x41: {  	s16 =	sadd.s32 $0x1, s16;
	_ =	swait.ge [sflag:s14], $0x2800  }
0x42: {  	p0 =	sne.s32 s16, s5;
	[sflag:s14] =	ssyncset.done $0x0  }
.Ltmp1:
0x43: {  	[sflag:s14] =	ssyncadd.s32 $0xFFFFD800;
	(pc) =	sbr.rel @p0 .LBB2_1-.Ltmp1, $4  }
0x44: {  	[hbm4b:s7+s2] =	stream.linear.scatter [tilespmem:s13], [sflag:$0x3], $0x2800, $0x38;
	[tilespmem:$0x5C00] =	vst v63  }
0x45: {  	_ =	swait.ge [sflag:s9], $0x2800  }
0x46: {  	[sflag:s9] =	ssyncset.done $0x0  }
0x47: {  	[sflag:s9] =	ssyncadd.s32 $0xFFFFD800  }
0x48: {  	_ =	sfence.sel $0x180000  }
0x49: {  	[bflag:$0x0] =	sbarrier.arrive $0xFFFF  }
0x4a: {  	p0 =	sne.s32 s0, $0x0;
	_ =	strace $0x90000050  }
0x4b: {  	s0 =	sadd.s32 @!p0 $0x100000, s1;
	[bflag:$0x2] =	sbarrier.arrive $0xFFFF  }
0x4c: {  	[sflag:s0] =	ssyncadd.tile.s32 @!p0 $0x1;
	_ =	shalt  }
.Lfunc_end2:
_tile_overlayer_lowered:
.L_overlay_start_2:
0x4d: {  	(tag) =	ssettag $0x2  }
0x4e: {  	s0 =	rddreg [dreg:$0x0];
	s2 =	stileid.u32  }
0x4f: {  	s1 =	rddreg [dreg:$0x1];
	p0 =	sne.s32 s2, $0x0  }
0x50: {  	s3 =	rddreg [dreg:$0x2];
	[bflag:$0x3] =	sbarrier.arrive $0xFFFF;
	s2 =	simm.s32 @!p0 $0x1C03  }
0x51: {  	[timem:s3], [sflag:s2] =	dma.local @!p0 [hbm:s0], s1  }
0x52: {  	s0 =	simm.s32 @!p0 $0x3  }
0x53: {  	_ =	swait.ge @!p0 [sflag:s0], s1  }
0x54: {  	s1 =	ssub.s32 @!p0 $0x0, s1;
	[sflag:s0] =	ssyncset.done @!p0 $0x0  }
0x55: {  	[sflag:s0] =	ssyncadd.s32 @!p0 s1  }
0x56: {  	[bflag:$0x3] =	sbarrier.arrive $0xFFFF  }
0x57: {  	_ =	shalt  }

</sc_bundles>
